<compile_context>
chip_gen: v7x
topology: tpu7x:2x2x1
jax: 0.10.2.dev20260603
libtpu: 0.0.44.dev20260713+nightly
codegen_flags: <defaults>
</compile_context>

<pallas_src>
import functools

import jax
import jax.numpy as jnp
from jax import lax
from jax.experimental import pallas as pl
from jax.experimental.pallas import tpu as pltpu
from jax.experimental.pallas import tpu_sc as plsc

NUM_CORES = 2
NUM_SUBCORES = 16
NUM_WORKERS = NUM_CORES * NUM_SUBCORES
LANES = 16

VOCAB = 1000000
EMB_DIM = 512
BATCH = 16384

PAIRS_PER_WORKER = BATCH // NUM_WORKERS
CHUNK_PAIRS = 32
N_CHUNKS = PAIRS_PER_WORKER // CHUNK_PAIRS
NBUF = 2
PAIR_GROUP = 8
N_SLICES = EMB_DIM // LANES


def _sc_body(table, idxa, idxb, w3b, out0, out1,
             idxa_v, idxb_v, w3_v, wa0_v, wa1_v, wb0_v, wb1_v,
             x0_v, x1_v, buf0, buf1, sem0, sem1):
  wid = lax.axis_index("s") * NUM_CORES + lax.axis_index("c")
  base = wid * PAIRS_PER_WORKER

  pltpu.sync_copy(idxa.at[pl.ds(base, PAIRS_PER_WORKER)], idxa_v)
  pltpu.sync_copy(idxb.at[pl.ds(base, PAIRS_PER_WORKER)], idxb_v)

  bufs = (buf0, buf1)
  sems = (sem0, sem1)

  def gather_chunk(cc, b):
    a_sl = idxa_v.at[pl.ds(cc * CHUNK_PAIRS, CHUNK_PAIRS)]
    b_sl = idxb_v.at[pl.ds(cc * CHUNK_PAIRS, CHUNK_PAIRS)]
    pltpu.make_async_copy(table.at[a_sl],
                          bufs[b].at[pl.ds(0, CHUNK_PAIRS)], sems[b]).start()
    pltpu.make_async_copy(table.at[b_sl],
                          bufs[b].at[pl.ds(CHUNK_PAIRS, CHUNK_PAIRS)],
                          sems[b]).start()

  def wait_chunk(cc, b):
    a_sl = idxa_v.at[pl.ds(cc * CHUNK_PAIRS, CHUNK_PAIRS)]
    b_sl = idxb_v.at[pl.ds(cc * CHUNK_PAIRS, CHUNK_PAIRS)]
    pltpu.make_async_copy(table.at[a_sl],
                          bufs[b].at[pl.ds(0, CHUNK_PAIRS)], sems[b]).wait()
    pltpu.make_async_copy(table.at[b_sl],
                          bufs[b].at[pl.ds(CHUNK_PAIRS, CHUNK_PAIRS)],
                          sems[b]).wait()

  for b in range(NBUF):
    gather_chunk(jnp.int32(b), b)

  pltpu.sync_copy(w3b, w3_v)

  def w_prep(j, _):
    d2 = 2 * (16 * j + lax.iota(jnp.int32, 16))
    wd0 = plsc.load_gather(w3_v, [d2])
    ws0 = plsc.load_gather(w3_v, [d2 + 1024])
    wa0 = plsc.load_gather(w3_v, [d2 + 2048])
    wb0 = plsc.load_gather(w3_v, [d2 + 3072])
    wd1 = plsc.load_gather(w3_v, [d2 + 1])
    ws1 = plsc.load_gather(w3_v, [d2 + 1025])
    wa1 = plsc.load_gather(w3_v, [d2 + 2049])
    wb1 = plsc.load_gather(w3_v, [d2 + 3073])
    sl = pl.ds(16 * j, 16)
    wa0_v[sl] = wd0 + ws0 + wa0
    wa1_v[sl] = wd1 + ws1 + wa1
    wb0_v[sl] = ws0 - wd0 + wb0
    wb1_v[sl] = ws1 - wd1 + wb1
    return 0

  lax.fori_loop(0, N_SLICES, w_prep, 0)

  zero = jnp.zeros((LANES,), jnp.float32)
  last = lax.iota(jnp.int32, 16) == 15

  def compute_chunk(cc, buf):
    def group_body(g, _):
      i0 = g * PAIR_GROUP
      acc0 = [zero] * PAIR_GROUP
      acc1 = [zero] * PAIR_GROUP
      for j in range(N_SLICES):
        sl = pl.ds(16 * j, 16)
        w0 = wa0_v[sl]
        w1 = wa1_v[sl]
        for q in range(PAIR_GROUP):
          va = buf[i0 + q, sl]
          acc0[q] = acc0[q] + va * w0
          acc1[q] = acc1[q] + va * w1
      for j in range(N_SLICES):
        sl = pl.ds(16 * j, 16)
        w0 = wb0_v[sl]
        w1 = wb1_v[sl]
        for q in range(PAIR_GROUP):
          vb = buf[CHUNK_PAIRS + i0 + q, sl]
          acc0[q] = acc0[q] + vb * w0
          acc1[q] = acc1[q] + vb * w1
      for q in range(PAIR_GROUP):
        p = jnp.broadcast_to(cc * CHUNK_PAIRS + i0 + q, (16,))
        plsc.store_scatter(x0_v, [p], plsc.cumsum(acc0[q]), mask=last)
        plsc.store_scatter(x1_v, [p], plsc.cumsum(acc1[q]), mask=last)
      return 0

    lax.fori_loop(0, CHUNK_PAIRS // PAIR_GROUP, group_body, 0)

  def ring_body(g, _):
    for b in range(NBUF):
      cc = g * NBUF + b
      wait_chunk(cc, b)

      @pl.when(cc + NBUF < N_CHUNKS)
      def _():
        gather_chunk(cc + NBUF, b)

    return 0

  lax.fori_loop(0, N_CHUNKS // NBUF, ring_body, 0)

  bv = w3_v[pl.ds(4096, 16)]
  b0 = bv[0]
  b1 = bv[1]

  def epilogue(j, _):
    sl = pl.ds(16 * j, 16)
    x0 = x0_v[sl] + b0
    x1 = x1_v[sl] + b1
    m = jnp.maximum(x0, x1)
    t = jnp.exp(-jnp.abs(x0 - x1))
    z = t / (2.0 + t)
    z2 = z * z
    log1p_t = 2.0 * z * (1.0 + z2 * (1.0 / 3.0 + z2 * (0.2 + z2 * (1.0 / 7.0 + z2 * (1.0 / 9.0)))))
    lse = m + log1p_t
    x0_v[sl] = x0 - lse
    x1_v[sl] = x1 - lse
    return 0

  lax.fori_loop(0, PAIRS_PER_WORKER // 16, epilogue, 0)

  pltpu.sync_copy(x0_v, out0.at[pl.ds(base, PAIRS_PER_WORKER)])
  pltpu.sync_copy(x1_v, out1.at[pl.ds(base, PAIRS_PER_WORKER)])


@functools.partial(
    pl.kernel,
    out_type=(jax.ShapeDtypeStruct((BATCH,), jnp.float32),
              jax.ShapeDtypeStruct((BATCH,), jnp.float32)),
    mesh=plsc.VectorSubcoreMesh(core_axis_name="c", subcore_axis_name="s"),
    scratch_types=[
        pltpu.VMEM((PAIRS_PER_WORKER,), jnp.int32),
        pltpu.VMEM((PAIRS_PER_WORKER,), jnp.int32),
        pltpu.VMEM((4112,), jnp.float32),
        pltpu.VMEM((EMB_DIM,), jnp.float32),
        pltpu.VMEM((EMB_DIM,), jnp.float32),
        pltpu.VMEM((EMB_DIM,), jnp.float32),
        pltpu.VMEM((EMB_DIM,), jnp.float32),
        pltpu.VMEM((PAIRS_PER_WORKER,), jnp.float32),
        pltpu.VMEM((PAIRS_PER_WORKER,), jnp.float32),
        pltpu.VMEM((2 * CHUNK_PAIRS, EMB_DIM), jnp.float32),
        pltpu.VMEM((2 * CHUNK_PAIRS, EMB_DIM), jnp.float32),
        pltpu.SemaphoreType.DMA,
        pltpu.SemaphoreType.DMA,
    ],
    compiler_params=pltpu.CompilerParams(needs_layout_passes=False),
)
def _siamese_sc(table, idxa, idxb, w3b, out0, out1, *scratch):
  _sc_body(table, idxa, idxb, w3b, out0, out1, *scratch)


def kernel(inputs, epoch, table, W3, b3):
  del epoch
  idx_a = inputs[:, 0]
  idx_b = inputs[:, 1]
  w3b = jnp.concatenate([W3.reshape(-1), b3,
                         jnp.zeros((LANES - b3.shape[0],), jnp.float32)])
  out0, out1 = _siamese_sc(table, idx_a, idx_b, w3b)
  return jnp.stack([out0, out1], axis=1)

# --- scband reference (transcript-rebuilt; emitter-appended) ---
"""Pipeline reference for scband-siamese-network-32341103739369 (READ-ONLY COPY).

The authoritative reference and input builder live on the scoring server;
editing this copy changes nothing except your own understanding.
"""

import jax, jax.numpy as jnp
import numpy as np

VOCAB = 1000000
EMB_DIM = 512
BATCH = 16384

def setup_inputs(seed: int = 0) -> dict:
    key = jax.random.key(seed)
    k1, k2, k3, k4 = jax.random.split(key, 4)
    inputs = jax.random.randint(k1, (BATCH, 2), 0, VOCAB, dtype=jnp.int64 if jax.config.jax_enable_x64 else jnp.int32).astype(jnp.int32)
    table = jax.random.normal(k2, (VOCAB, EMB_DIM), dtype=jnp.float32) * 0.02
    W3 = jax.random.normal(k3, (2048, 2), dtype=jnp.float32) * (1.0 / np.sqrt(2048.0))
    b3 = jax.random.normal(k4, (2,), dtype=jnp.float32) * 0.01
    return {"inputs": inputs, "epoch": 1, "table": table, "W3": W3, "b3": b3}

def reference(inputs, epoch, table, W3, b3):
    # inputs: [B, 2] int; transpose -> [2, B]
    inp_t = inputs.T
    a = jnp.take(table, inp_t[0], axis=0)  # [B, 512]
    b = jnp.take(table, inp_t[1], axis=0)  # [B, 512]
    cat = jnp.concatenate([a - b, a + b, a, b], axis=1)  # [B, 2048]
    x = cat @ W3 + b3  # [B, 2]
    return jax.nn.log_softmax(x, axis=1)

if False:  # reference __main__ guard neutralized (emitter)
    out = reference(**setup_inputs())
    print(out.shape, out.dtype)

if __name__ == "__main__":
    import jax
    _d = setup_inputs()
    print(jax.jit(kernel)(*tuple(_d.values())))

</pallas_src>

<mosaic_0001>
#map = affine_map<(d0, d1) -> (0, 0)>
#map1 = affine_map<(d0, d1) -> (0)>
module attributes {stable_mosaic.version = 14 : i64} {
  func.func @_siamese_sc(%arg0: i32, %arg1: i32, %arg2: memref<1000000x512xf32, #tpu.memory_space<hbm>>, %arg3: memref<16384xi32, #tpu.memory_space<hbm>>, %arg4: memref<16384xi32, #tpu.memory_space<hbm>>, %arg5: memref<4112xf32, #tpu.memory_space<hbm>>, %arg6: memref<16384xf32, #tpu.memory_space<hbm>>, %arg7: memref<16384xf32, #tpu.memory_space<hbm>>, %arg8: memref<512xi32, #tpu.memory_space<vmem>>, %arg9: memref<512xi32, #tpu.memory_space<vmem>>, %arg10: memref<4112xf32, #tpu.memory_space<vmem>>, %arg11: memref<512xf32, #tpu.memory_space<vmem>>, %arg12: memref<512xf32, #tpu.memory_space<vmem>>, %arg13: memref<512xf32, #tpu.memory_space<vmem>>, %arg14: memref<512xf32, #tpu.memory_space<vmem>>, %arg15: memref<512xf32, #tpu.memory_space<vmem>>, %arg16: memref<512xf32, #tpu.memory_space<vmem>>, %arg17: memref<64x512xf32, #tpu.memory_space<vmem>>, %arg18: memref<64x512xf32, #tpu.memory_space<vmem>>, %arg19: memref<!tpu.dma_semaphore, #tpu.memory_space<semaphore_mem>>, %arg20: memref<!tpu.dma_semaphore, #tpu.memory_space<semaphore_mem>>) attributes {dimension_semantics = [#tpu.dimension_semantics<core_parallel>, #tpu.dimension_semantics<subcore_parallel>], iteration_bounds = array<i64: 2, 16>, scalar_prefetch = 0 : i64, scratch_operands = 13 : i64, tpu.core_type = #tpu.core_type<sc_vector_subcore>, window_params = [{transform_indices = #map}, {transform_indices = #map1}, {transform_indices = #map1}, {transform_indices = #map1}, {transform_indices = #map1}, {transform_indices = #map1}]} {
    %mul3A = arith.constant 2 : i32
    %mul3A_0 = arith.muli %arg1, %mul3A : i32
    %add3A = arith.addi %mul3A_0, %arg0 : i32
    %mul3A_1 = arith.constant 512 : i32
    %mul3A_2 = arith.muli %add3A, %mul3A_1 : i32
    "tpu.region"() ({
      %run_scoped3A = tpu.sem_alloc : memref<!tpu.dma_semaphore, #tpu.memory_space<semaphore_mem>>
      %dma_start3A_68 = tpu.memref_slice %arg3[%mul3A_2] : memref<16384xi32, #tpu.memory_space<hbm>> -> memref<512xi32, #tpu.memory_space<hbm>>
      %dma_start3A_69 = tpu.memref_slice %arg3[%mul3A_2] : memref<16384xi32, #tpu.memory_space<hbm>> -> memref<512xi32, #tpu.memory_space<hbm>>
      tpu.enqueue_dma source(%dma_start3A_69 : memref<512xi32, #tpu.memory_space<hbm>>) target(%arg8 : memref<512xi32, #tpu.memory_space<vmem>>) target_semaphore(%run_scoped3A : memref<!tpu.dma_semaphore, #tpu.memory_space<semaphore_mem>>)
      %dma_wait3A = tpu.memref_slice %arg3[%mul3A_2] : memref<16384xi32, #tpu.memory_space<hbm>> -> memref<512xi32, #tpu.memory_space<hbm>>
      %dma_wait3A_70 = tpu.memref_slice %arg3[%mul3A_2] : memref<16384xi32, #tpu.memory_space<hbm>> -> memref<512xi32, #tpu.memory_space<hbm>>
      tpu.wait_dma2 semaphore(%run_scoped3A : memref<!tpu.dma_semaphore, #tpu.memory_space<semaphore_mem>>) src(%dma_wait3A_70 : memref<512xi32, #tpu.memory_space<hbm>>) dst(%arg8 : memref<512xi32, #tpu.memory_space<vmem>>)
      tpu.yield
    }) : () -> ()
    "tpu.region"() ({
      %run_scoped3A = tpu.sem_alloc : memref<!tpu.dma_semaphore, #tpu.memory_space<semaphore_mem>>
      %dma_start3A_68 = tpu.memref_slice %arg4[%mul3A_2] : memref<16384xi32, #tpu.memory_space<hbm>> -> memref<512xi32, #tpu.memory_space<hbm>>
      %dma_start3A_69 = tpu.memref_slice %arg4[%mul3A_2] : memref<16384xi32, #tpu.memory_space<hbm>> -> memref<512xi32, #tpu.memory_space<hbm>>
      tpu.enqueue_dma source(%dma_start3A_69 : memref<512xi32, #tpu.memory_space<hbm>>) target(%arg9 : memref<512xi32, #tpu.memory_space<vmem>>) target_semaphore(%run_scoped3A : memref<!tpu.dma_semaphore, #tpu.memory_space<semaphore_mem>>)
      %dma_wait3A = tpu.memref_slice %arg4[%mul3A_2] : memref<16384xi32, #tpu.memory_space<hbm>> -> memref<512xi32, #tpu.memory_space<hbm>>
      %dma_wait3A_70 = tpu.memref_slice %arg4[%mul3A_2] : memref<16384xi32, #tpu.memory_space<hbm>> -> memref<512xi32, #tpu.memory_space<hbm>>
      tpu.wait_dma2 semaphore(%run_scoped3A : memref<!tpu.dma_semaphore, #tpu.memory_space<semaphore_mem>>) src(%dma_wait3A_70 : memref<512xi32, #tpu.memory_space<hbm>>) dst(%arg9 : memref<512xi32, #tpu.memory_space<vmem>>)
      tpu.yield
    }) : () -> ()
    %mul3A_3 = arith.constant 0 : i32
    %mul3A_4 = arith.constant 32 : i32
    %mul3A_5 = arith.muli %mul3A_3, %mul3A_4 : i32
    %mul3A_6 = arith.constant 0 : i32
    %mul3A_7 = arith.constant 32 : i32
    %mul3A_8 = arith.muli %mul3A_6, %mul3A_7 : i32
    %dma_start3A = arith.constant 0 : i32
    %dma_start3A_9 = arith.constant 0 : i32
    %dma_start3A_10 = tpu.memref_slice %arg17[%dma_start3A, %dma_start3A_9] : memref<64x512xf32, #tpu.memory_space<vmem>> -> memref<32x512xf32, #tpu.memory_space<vmem>>
    %dma_start3A_11 = tpu.memref_slice %arg8[%mul3A_5] : memref<512xi32, #tpu.memory_space<vmem>> -> memref<32xi32, #tpu.memory_space<vmem>>
    %dma_start3A_12 = arith.constant 0 : i32
    %dma_start3A_13 = arith.constant 0 : i32
    %dma_start3A_14 = tpu.memref_slice %arg2[%dma_start3A_12, %dma_start3A_13] : memref<1000000x512xf32, #tpu.memory_space<hbm>> -> memref<1000000x512xf32, #tpu.memory_space<hbm>>
    tpu.enqueue_indirect_dma source(%dma_start3A_14 : memref<1000000x512xf32, #tpu.memory_space<hbm>>) target(%dma_start3A_10 : memref<32x512xf32, #tpu.memory_space<vmem>>) offsets(%dma_start3A_11 : memref<32xi32, #tpu.memory_space<vmem>>) semaphore(%arg19 : memref<!tpu.dma_semaphore, #tpu.memory_space<semaphore_mem>>)
    %dma_start3A_15 = arith.constant 32 : i32
    %dma_start3A_16 = arith.constant 0 : i32
    %dma_start3A_17 = tpu.memref_slice %arg17[%dma_start3A_15, %dma_start3A_16] : memref<64x512xf32, #tpu.memory_space<vmem>> -> memref<32x512xf32, #tpu.memory_space<vmem>>
    %dma_start3A_18 = tpu.memref_slice %arg9[%mul3A_8] : memref<512xi32, #tpu.memory_space<vmem>> -> memref<32xi32, #tpu.memory_space<vmem>>
    %dma_start3A_19 = arith.constant 0 : i32
    %dma_start3A_20 = arith.constant 0 : i32
    %dma_start3A_21 = tpu.memref_slice %arg2[%dma_start3A_19, %dma_start3A_20] : memref<1000000x512xf32, #tpu.memory_space<hbm>> -> memref<1000000x512xf32, #tpu.memory_space<hbm>>
    tpu.enqueue_indirect_dma source(%dma_start3A_21 : memref<1000000x512xf32, #tpu.memory_space<hbm>>) target(%dma_start3A_17 : memref<32x512xf32, #tpu.memory_space<vmem>>) offsets(%dma_start3A_18 : memref<32xi32, #tpu.memory_space<vmem>>) semaphore(%arg19 : memref<!tpu.dma_semaphore, #tpu.memory_space<semaphore_mem>>)
    %mul3A_22 = arith.constant 1 : i32
    %mul3A_23 = arith.constant 32 : i32
    %mul3A_24 = arith.muli %mul3A_22, %mul3A_23 : i32
    %mul3A_25 = arith.constant 1 : i32
    %mul3A_26 = arith.constant 32 : i32
    %mul3A_27 = arith.muli %mul3A_25, %mul3A_26 : i32
    %dma_start3A_28 = arith.constant 0 : i32
    %dma_start3A_29 = arith.constant 0 : i32
    %dma_start3A_30 = tpu.memref_slice %arg18[%dma_start3A_28, %dma_start3A_29] : memref<64x512xf32, #tpu.memory_space<vmem>> -> memref<32x512xf32, #tpu.memory_space<vmem>>
    %dma_start3A_31 = tpu.memref_slice %arg8[%mul3A_24] : memref<512xi32, #tpu.memory_space<vmem>> -> memref<32xi32, #tpu.memory_space<vmem>>
    %dma_start3A_32 = arith.constant 0 : i32
    %dma_start3A_33 = arith.constant 0 : i32
    %dma_start3A_34 = tpu.memref_slice %arg2[%dma_start3A_32, %dma_start3A_33] : memref<1000000x512xf32, #tpu.memory_space<hbm>> -> memref<1000000x512xf32, #tpu.memory_space<hbm>>
    tpu.enqueue_indirect_dma source(%dma_start3A_34 : memref<1000000x512xf32, #tpu.memory_space<hbm>>) target(%dma_start3A_30 : memref<32x512xf32, #tpu.memory_space<vmem>>) offsets(%dma_start3A_31 : memref<32xi32, #tpu.memory_space<vmem>>) semaphore(%arg20 : memref<!tpu.dma_semaphore, #tpu.memory_space<semaphore_mem>>)
    %dma_start3A_35 = arith.constant 32 : i32
    %dma_start3A_36 = arith.constant 0 : i32
    %dma_start3A_37 = tpu.memref_slice %arg18[%dma_start3A_35, %dma_start3A_36] : memref<64x512xf32, #tpu.memory_space<vmem>> -> memref<32x512xf32, #tpu.memory_space<vmem>>
    %dma_start3A_38 = tpu.memref_slice %arg9[%mul3A_27] : memref<512xi32, #tpu.memory_space<vmem>> -> memref<32xi32, #tpu.memory_space<vmem>>
    %dma_start3A_39 = arith.constant 0 : i32
    %dma_start3A_40 = arith.constant 0 : i32
    %dma_start3A_41 = tpu.memref_slice %arg2[%dma_start3A_39, %dma_start3A_40] : memref<1000000x512xf32, #tpu.memory_space<hbm>> -> memref<1000000x512xf32, #tpu.memory_space<hbm>>
    tpu.enqueue_indirect_dma source(%dma_start3A_41 : memref<1000000x512xf32, #tpu.memory_space<hbm>>) target(%dma_start3A_37 : memref<32x512xf32, #tpu.memory_space<vmem>>) offsets(%dma_start3A_38 : memref<32xi32, #tpu.memory_space<vmem>>) semaphore(%arg20 : memref<!tpu.dma_semaphore, #tpu.memory_space<semaphore_mem>>)
    "tpu.region"() ({
      %run_scoped3A = tpu.sem_alloc : memref<!tpu.dma_semaphore, #tpu.memory_space<semaphore_mem>>
      tpu.enqueue_dma source(%arg5 : memref<4112xf32, #tpu.memory_space<hbm>>) target(%arg10 : memref<4112xf32, #tpu.memory_space<vmem>>) target_semaphore(%run_scoped3A : memref<!tpu.dma_semaphore, #tpu.memory_space<semaphore_mem>>)
      tpu.wait_dma2 semaphore(%run_scoped3A : memref<!tpu.dma_semaphore, #tpu.memory_space<semaphore_mem>>) src(%arg5 : memref<4112xf32, #tpu.memory_space<hbm>>) dst(%arg10 : memref<4112xf32, #tpu.memory_space<vmem>>)
      tpu.yield
    }) : () -> ()
    %scan3A = arith.constant 0 : i32
    %scan3A_42 = arith.constant 0 : i32
    %scan3A_43 = arith.constant 32 : i32
    %scan3A_44 = arith.addi %scan3A_42, %scan3A_43 : i32
    %scan3A_45 = arith.constant 1 : i32
    %scan3A_46 = scf.for %scan3A_68 = %scan3A_42 to %scan3A_44 step %scan3A_45 iter_args(%scan3A_69 = %scan3A) -> (i32)  : i32 {
      %mul3A_70 = arith.constant 16 : i32
      %mul3A_71 = arith.muli %mul3A_70, %scan3A_68 : i32
      %iota3A_72 = tpu.iota {dimensions = array<i32: 0>} : vector<16xi32>
      %add3A_73 = vector.broadcast %mul3A_71 : i32 to vector<16xi32>
      %add3A_74 = arith.addi %add3A_73, %iota3A_72 : vector<16xi32>
      %mul3A_75 = arith.constant 2 : i32
      %mul3A_76 = vector.broadcast %mul3A_75 : i32 to vector<16xi32>
      %mul3A_77 = arith.muli %mul3A_76, %add3A_74 : vector<16xi32>
      %gather3A = tpu.vector_load_idx %arg10[%mul3A_77] : memref<4112xf32, #tpu.memory_space<vmem>>[vector<16xi32>], vector<16xf32>,
      %add3A_78 = arith.constant 1024 : i32
      %add3A_79 = vector.broadcast %add3A_78 : i32 to vector<16xi32>
      %add3A_80 = arith.addi %mul3A_77, %add3A_79 : vector<16xi32>
      %gather3A_81 = tpu.vector_load_idx %arg10[%add3A_80] : memref<4112xf32, #tpu.memory_space<vmem>>[vector<16xi32>], vector<16xf32>,
      %add3A_82 = arith.constant 2048 : i32
      %add3A_83 = vector.broadcast %add3A_82 : i32 to vector<16xi32>
      %add3A_84 = arith.addi %mul3A_77, %add3A_83 : vector<16xi32>
      %gather3A_85 = tpu.vector_load_idx %arg10[%add3A_84] : memref<4112xf32, #tpu.memory_space<vmem>>[vector<16xi32>], vector<16xf32>,
      %add3A_86 = arith.constant 3072 : i32
      %add3A_87 = vector.broadcast %add3A_86 : i32 to vector<16xi32>
      %add3A_88 = arith.addi %mul3A_77, %add3A_87 : vector<16xi32>
      %gather3A_89 = tpu.vector_load_idx %arg10[%add3A_88] : memref<4112xf32, #tpu.memory_space<vmem>>[vector<16xi32>], vector<16xf32>,
      %add3A_90 = arith.constant 1 : i32
      %add3A_91 = vector.broadcast %add3A_90 : i32 to vector<16xi32>
      %add3A_92 = arith.addi %mul3A_77, %add3A_91 : vector<16xi32>
      %gather3A_93 = tpu.vector_load_idx %arg10[%add3A_92] : memref<4112xf32, #tpu.memory_space<vmem>>[vector<16xi32>], vector<16xf32>,
      %add3A_94 = arith.constant 1025 : i32
      %add3A_95 = vector.broadcast %add3A_94 : i32 to vector<16xi32>
      %add3A_96 = arith.addi %mul3A_77, %add3A_95 : vector<16xi32>
      %gather3A_97 = tpu.vector_load_idx %arg10[%add3A_96] : memref<4112xf32, #tpu.memory_space<vmem>>[vector<16xi32>], vector<16xf32>,
      %add3A_98 = arith.constant 2049 : i32
      %add3A_99 = vector.broadcast %add3A_98 : i32 to vector<16xi32>
      %add3A_100 = arith.addi %mul3A_77, %add3A_99 : vector<16xi32>
      %gather3A_101 = tpu.vector_load_idx %arg10[%add3A_100] : memref<4112xf32, #tpu.memory_space<vmem>>[vector<16xi32>], vector<16xf32>,
      %add3A_102 = arith.constant 3073 : i32
      %add3A_103 = vector.broadcast %add3A_102 : i32 to vector<16xi32>
      %add3A_104 = arith.addi %mul3A_77, %add3A_103 : vector<16xi32>
      %gather3A_105 = tpu.vector_load_idx %arg10[%add3A_104] : memref<4112xf32, #tpu.memory_space<vmem>>[vector<16xi32>], vector<16xf32>,
      %mul3A_106 = arith.constant 16 : i32
      %mul3A_107 = arith.muli %mul3A_106, %scan3A_68 : i32
      %add3A_108 = arith.addf %gather3A, %gather3A_81 : vector<16xf32>
      %add3A_109 = arith.addf %add3A_108, %gather3A_85 : vector<16xf32>
      %swap3A = arith.index_cast %mul3A_107 : i32 to index
      %swap3A_110 = tpu.vector_load %arg11[%swap3A] {strides = array<i32>} : memref<512xf32, #tpu.memory_space<vmem>>, vector<16xf32>,
      tpu.vector_store %arg11[%swap3A], %add3A_109 {strides = array<i32>} : memref<512xf32, #tpu.memory_space<vmem>>, vector<16xf32>,
      %add3A_111 = arith.addf %gather3A_93, %gather3A_97 : vector<16xf32>
      %add3A_112 = arith.addf %add3A_111, %gather3A_101 : vector<16xf32>
      %swap3A_113 = arith.index_cast %mul3A_107 : i32 to index
      %swap3A_114 = tpu.vector_load %arg12[%swap3A_113] {strides = array<i32>} : memref<512xf32, #tpu.memory_space<vmem>>, vector<16xf32>,
      tpu.vector_store %arg12[%swap3A_113], %add3A_112 {strides = array<i32>} : memref<512xf32, #tpu.memory_space<vmem>>, vector<16xf32>,
      %sub3A = arith.subf %gather3A_81, %gather3A : vector<16xf32>
      %add3A_115 = arith.addf %sub3A, %gather3A_89 : vector<16xf32>
      %swap3A_116 = arith.index_cast %mul3A_107 : i32 to index
      %swap3A_117 = tpu.vector_load %arg13[%swap3A_116] {strides = array<i32>} : memref<512xf32, #tpu.memory_space<vmem>>, vector<16xf32>,
      tpu.vector_store %arg13[%swap3A_116], %add3A_115 {strides = array<i32>} : memref<512xf32, #tpu.memory_space<vmem>>, vector<16xf32>,
      %sub3A_118 = arith.subf %gather3A_97, %gather3A_93 : vector<16xf32>
      %add3A_119 = arith.addf %sub3A_118, %gather3A_105 : vector<16xf32>
      %swap3A_120 = arith.index_cast %mul3A_107 : i32 to index
      %swap3A_121 = tpu.vector_load %arg14[%swap3A_120] {strides = array<i32>} : memref<512xf32, #tpu.memory_space<vmem>>, vector<16xf32>,
      tpu.vector_store %arg14[%swap3A_120], %add3A_119 {strides = array<i32>} : memref<512xf32, #tpu.memory_space<vmem>>, vector<16xf32>,
      %scan3A_122 = arith.constant 0 : i32
      scf.yield %scan3A_122 : i32
    }
    %scan3A_47 = arith.constant 32 : i32
    %broadcast_in_dim3A = arith.constant 0.000000e+00 : f32
    %broadcast_in_dim3A_48 = vector.broadcast %broadcast_in_dim3A : f32 to vector<16xf32>
    %iota3A = tpu.iota {dimensions = array<i32: 0>} : vector<16xi32>
    %eq3A = arith.constant 15 : i32
    %eq3A_49 = vector.broadcast %eq3A : i32 to vector<16xi32>
    %eq3A_50 = arith.cmpi eq, %iota3A, %eq3A_49 : vector<16xi32>
    %scan3A_51 = arith.constant 0 : i32
    %scan3A_52 = arith.constant 0 : i32
    %scan3A_53 = arith.constant 8 : i32
    %scan3A_54 = arith.addi %scan3A_52, %scan3A_53 : i32
    %scan3A_55 = arith.constant 1 : i32
    %scan3A_56 = scf.for %scan3A_68 = %scan3A_52 to %scan3A_54 step %scan3A_55 iter_args(%scan3A_69 = %scan3A_51) -> (i32)  : i32 {
      %mul3A_70 = arith.constant 2 : i32
      %mul3A_71 = arith.muli %scan3A_68, %mul3A_70 : i32
      %add3A_72 = arith.constant 0 : i32
      %add3A_73 = arith.addi %mul3A_71, %add3A_72 : i32
      %mul3A_74 = arith.constant 32 : i32
      %mul3A_75 = arith.muli %add3A_73, %mul3A_74 : i32
      %mul3A_76 = arith.constant 32 : i32
      %mul3A_77 = arith.muli %add3A_73, %mul3A_76 : i32
      %dma_wait3A = arith.constant 0 : i32
      %dma_wait3A_78 = arith.constant 0 : i32
      %dma_wait3A_79 = tpu.memref_slice %arg17[%dma_wait3A, %dma_wait3A_78] : memref<64x512xf32, #tpu.memory_space<vmem>> -> memref<32x512xf32, #tpu.memory_space<vmem>>
      %dma_wait3A_80 = tpu.memref_slice %arg8[%mul3A_75] : memref<512xi32, #tpu.memory_space<vmem>> -> memref<32xi32, #tpu.memory_space<vmem>>
      %dma_wait3A_81 = arith.constant 0 : i32
      %dma_wait3A_82 = arith.constant 0 : i32
      %dma_wait3A_83 = tpu.memref_slice %arg2[%dma_wait3A_81, %dma_wait3A_82] : memref<1000000x512xf32, #tpu.memory_space<hbm>> -> memref<1000000x512xf32, #tpu.memory_space<hbm>>
      tpu.wait_indirect_dma semaphore(%arg19 : memref<!tpu.dma_semaphore, #tpu.memory_space<semaphore_mem>>) src(%dma_wait3A_83 : memref<1000000x512xf32, #tpu.memory_space<hbm>>) dst(%dma_wait3A_79 : memref<32x512xf32, #tpu.memory_space<vmem>>)
      %dma_wait3A_84 = arith.constant 32 : i32
      %dma_wait3A_85 = arith.constant 0 : i32
      %dma_wait3A_86 = tpu.memref_slice %arg17[%dma_wait3A_84, %dma_wait3A_85] : memref<64x512xf32, #tpu.memory_space<vmem>> -> memref<32x512xf32, #tpu.memory_space<vmem>>
      %dma_wait3A_87 = tpu.memref_slice %arg9[%mul3A_77] : memref<512xi32, #tpu.memory_space<vmem>> -> memref<32xi32, #tpu.memory_space<vmem>>
      %dma_wait3A_88 = arith.constant 0 : i32
      %dma_wait3A_89 = arith.constant 0 : i32
      %dma_wait3A_90 = tpu.memref_slice %arg2[%dma_wait3A_88, %dma_wait3A_89] : memref<1000000x512xf32, #tpu.memory_space<hbm>> -> memref<1000000x512xf32, #tpu.memory_space<hbm>>
      tpu.wait_indirect_dma semaphore(%arg19 : memref<!tpu.dma_semaphore, #tpu.memory_space<semaphore_mem>>) src(%dma_wait3A_90 : memref<1000000x512xf32, #tpu.memory_space<hbm>>) dst(%dma_wait3A_86 : memref<32x512xf32, #tpu.memory_space<vmem>>)
      %add3A_91 = arith.constant 2 : i32
      %add3A_92 = arith.addi %add3A_73, %add3A_91 : i32
      %lt3A = arith.constant 16 : i32
      %lt3A_93 = arith.cmpi slt, %add3A_92, %lt3A : i32
      %convert_element_type3A = arith.extui %lt3A_93 : i1 to i32
      %cond3A = arith.constant 0 : i32
      %cond3A_94 = arith.cmpi ne, %convert_element_type3A, %cond3A : i32
      scf.if %cond3A_94 {
        %add3A_125 = arith.constant 2 : i32
        %add3A_126 = arith.addi %add3A_73, %add3A_125 : i32
        %mul3A_127 = arith.constant 32 : i32
        %mul3A_128 = arith.muli %add3A_126, %mul3A_127 : i32
        %mul3A_129 = arith.constant 32 : i32
        %mul3A_130 = arith.muli %add3A_126, %mul3A_129 : i32
        %dma_start3A_131 = arith.constant 0 : i32
        %dma_start3A_132 = arith.constant 0 : i32
        %dma_start3A_133 = tpu.memref_slice %arg17[%dma_start3A_131, %dma_start3A_132] : memref<64x512xf32, #tpu.memory_space<vmem>> -> memref<32x512xf32, #tpu.memory_space<vmem>>
        %dma_start3A_134 = tpu.memref_slice %arg8[%mul3A_128] : memref<512xi32, #tpu.memory_space<vmem>> -> memref<32xi32, #tpu.memory_space<vmem>>
        %dma_start3A_135 = arith.constant 0 : i32
        %dma_start3A_136 = arith.constant 0 : i32
        %dma_start3A_137 = tpu.memref_slice %arg2[%dma_start3A_135, %dma_start3A_136] : memref<1000000x512xf32, #tpu.memory_space<hbm>> -> memref<1000000x512xf32, #tpu.memory_space<hbm>>
        tpu.enqueue_indirect_dma source(%dma_start3A_137 : memref<1000000x512xf32, #tpu.memory_space<hbm>>) target(%dma_start3A_133 : memref<32x512xf32, #tpu.memory_space<vmem>>) offsets(%dma_start3A_134 : memref<32xi32, #tpu.memory_space<vmem>>) semaphore(%arg19 : memref<!tpu.dma_semaphore, #tpu.memory_space<semaphore_mem>>)
        %dma_start3A_138 = arith.constant 32 : i32
        %dma_start3A_139 = arith.constant 0 : i32
        %dma_start3A_140 = tpu.memref_slice %arg17[%dma_start3A_138, %dma_start3A_139] : memref<64x512xf32, #tpu.memory_space<vmem>> -> memref<32x512xf32, #tpu.memory_space<vmem>>
        %dma_start3A_141 = tpu.memref_slice %arg9[%mul3A_130] : memref<512xi32, #tpu.memory_space<vmem>> -> memref<32xi32, #tpu.memory_space<vmem>>
        %dma_start3A_142 = arith.constant 0 : i32
        %dma_start3A_143 = arith.constant 0 : i32
        %dma_start3A_144 = tpu.memref_slice %arg2[%dma_start3A_142, %dma_start3A_143] : memref<1000000x512xf32, #tpu.memory_space<hbm>> -> memref<1000000x512xf32, #tpu.memory_space<hbm>>
        tpu.enqueue_indirect_dma source(%dma_start3A_144 : memref<1000000x512xf32, #tpu.memory_space<hbm>>) target(%dma_start3A_140 : memref<32x512xf32, #tpu.memory_space<vmem>>) offsets(%dma_start3A_141 : memref<32xi32, #tpu.memory_space<vmem>>) semaphore(%arg19 : memref<!tpu.dma_semaphore, #tpu.memory_space<semaphore_mem>>)
      } else {
      }
      %mul3A_95 = arith.constant 2 : i32
      %mul3A_96 = arith.muli %scan3A_68, %mul3A_95 : i32
      %add3A_97 = arith.constant 1 : i32
      %add3A_98 = arith.addi %mul3A_96, %add3A_97 : i32
      %mul3A_99 = arith.constant 32 : i32
      %mul3A_100 = arith.muli %add3A_98, %mul3A_99 : i32
      %mul3A_101 = arith.constant 32 : i32
      %mul3A_102 = arith.muli %add3A_98, %mul3A_101 : i32
      %dma_wait3A_103 = arith.constant 0 : i32
      %dma_wait3A_104 = arith.constant 0 : i32
      %dma_wait3A_105 = tpu.memref_slice %arg18[%dma_wait3A_103, %dma_wait3A_104] : memref<64x512xf32, #tpu.memory_space<vmem>> -> memref<32x512xf32, #tpu.memory_space<vmem>>
      %dma_wait3A_106 = tpu.memref_slice %arg8[%mul3A_100] : memref<512xi32, #tpu.memory_space<vmem>> -> memref<32xi32, #tpu.memory_space<vmem>>
      %dma_wait3A_107 = arith.constant 0 : i32
      %dma_wait3A_108 = arith.constant 0 : i32
      %dma_wait3A_109 = tpu.memref_slice %arg2[%dma_wait3A_107, %dma_wait3A_108] : memref<1000000x512xf32, #tpu.memory_space<hbm>> -> memref<1000000x512xf32, #tpu.memory_space<hbm>>
      tpu.wait_indirect_dma semaphore(%arg20 : memref<!tpu.dma_semaphore, #tpu.memory_space<semaphore_mem>>) src(%dma_wait3A_109 : memref<1000000x512xf32, #tpu.memory_space<hbm>>) dst(%dma_wait3A_105 : memref<32x512xf32, #tpu.memory_space<vmem>>)
      %dma_wait3A_110 = arith.constant 32 : i32
      %dma_wait3A_111 = arith.constant 0 : i32
      %dma_wait3A_112 = tpu.memref_slice %arg18[%dma_wait3A_110, %dma_wait3A_111] : memref<64x512xf32, #tpu.memory_space<vmem>> -> memref<32x512xf32, #tpu.memory_space<vmem>>
      %dma_wait3A_113 = tpu.memref_slice %arg9[%mul3A_102] : memref<512xi32, #tpu.memory_space<vmem>> -> memref<32xi32, #tpu.memory_space<vmem>>
      %dma_wait3A_114 = arith.constant 0 : i32
      %dma_wait3A_115 = arith.constant 0 : i32
      %dma_wait3A_116 = tpu.memref_slice %arg2[%dma_wait3A_114, %dma_wait3A_115] : memref<1000000x512xf32, #tpu.memory_space<hbm>> -> memref<1000000x512xf32, #tpu.memory_space<hbm>>
      tpu.wait_indirect_dma semaphore(%arg20 : memref<!tpu.dma_semaphore, #tpu.memory_space<semaphore_mem>>) src(%dma_wait3A_116 : memref<1000000x512xf32, #tpu.memory_space<hbm>>) dst(%dma_wait3A_112 : memref<32x512xf32, #tpu.memory_space<vmem>>)
      %add3A_117 = arith.constant 2 : i32
      %add3A_118 = arith.addi %add3A_98, %add3A_117 : i32
      %lt3A_119 = arith.constant 16 : i32
      %lt3A_120 = arith.cmpi slt, %add3A_118, %lt3A_119 : i32
      %convert_element_type3A_121 = arith.extui %lt3A_120 : i1 to i32
      %cond3A_122 = arith.constant 0 : i32
      %cond3A_123 = arith.cmpi ne, %convert_element_type3A_121, %cond3A_122 : i32
      scf.if %cond3A_123 {
        %add3A_125 = arith.constant 2 : i32
        %add3A_126 = arith.addi %add3A_98, %add3A_125 : i32
        %mul3A_127 = arith.constant 32 : i32
        %mul3A_128 = arith.muli %add3A_126, %mul3A_127 : i32
        %mul3A_129 = arith.constant 32 : i32
        %mul3A_130 = arith.muli %add3A_126, %mul3A_129 : i32
        %dma_start3A_131 = arith.constant 0 : i32
        %dma_start3A_132 = arith.constant 0 : i32
        %dma_start3A_133 = tpu.memref_slice %arg18[%dma_start3A_131, %dma_start3A_132] : memref<64x512xf32, #tpu.memory_space<vmem>> -> memref<32x512xf32, #tpu.memory_space<vmem>>
        %dma_start3A_134 = tpu.memref_slice %arg8[%mul3A_128] : memref<512xi32, #tpu.memory_space<vmem>> -> memref<32xi32, #tpu.memory_space<vmem>>
        %dma_start3A_135 = arith.constant 0 : i32
        %dma_start3A_136 = arith.constant 0 : i32
        %dma_start3A_137 = tpu.memref_slice %arg2[%dma_start3A_135, %dma_start3A_136] : memref<1000000x512xf32, #tpu.memory_space<hbm>> -> memref<1000000x512xf32, #tpu.memory_space<hbm>>
        tpu.enqueue_indirect_dma source(%dma_start3A_137 : memref<1000000x512xf32, #tpu.memory_space<hbm>>) target(%dma_start3A_133 : memref<32x512xf32, #tpu.memory_space<vmem>>) offsets(%dma_start3A_134 : memref<32xi32, #tpu.memory_space<vmem>>) semaphore(%arg20 : memref<!tpu.dma_semaphore, #tpu.memory_space<semaphore_mem>>)
        %dma_start3A_138 = arith.constant 32 : i32
        %dma_start3A_139 = arith.constant 0 : i32
        %dma_start3A_140 = tpu.memref_slice %arg18[%dma_start3A_138, %dma_start3A_139] : memref<64x512xf32, #tpu.memory_space<vmem>> -> memref<32x512xf32, #tpu.memory_space<vmem>>
        %dma_start3A_141 = tpu.memref_slice %arg9[%mul3A_130] : memref<512xi32, #tpu.memory_space<vmem>> -> memref<32xi32, #tpu.memory_space<vmem>>
        %dma_start3A_142 = arith.constant 0 : i32
        %dma_start3A_143 = arith.constant 0 : i32
        %dma_start3A_144 = tpu.memref_slice %arg2[%dma_start3A_142, %dma_start3A_143] : memref<1000000x512xf32, #tpu.memory_space<hbm>> -> memref<1000000x512xf32, #tpu.memory_space<hbm>>
        tpu.enqueue_indirect_dma source(%dma_start3A_144 : memref<1000000x512xf32, #tpu.memory_space<hbm>>) target(%dma_start3A_140 : memref<32x512xf32, #tpu.memory_space<vmem>>) offsets(%dma_start3A_141 : memref<32xi32, #tpu.memory_space<vmem>>) semaphore(%arg20 : memref<!tpu.dma_semaphore, #tpu.memory_space<semaphore_mem>>)
      } else {
      }
      %scan3A_124 = arith.constant 0 : i32
      scf.yield %scan3A_124 : i32
    }
    %scan3A_57 = arith.constant 8 : i32
    %get3A = arith.constant 4096 : index
    %get3A_58 = tpu.vector_load %arg10[%get3A] {strides = array<i32>} : memref<4112xf32, #tpu.memory_space<vmem>>, vector<16xf32>,
    %slice3A = vector.extract_strided_slice %get3A_58 {offsets = [0], sizes = [1], strides = [1]} : vector<16xf32> to vector<1xf32>
    %squeeze3A = vector.extract %slice3A[0] : f32 from vector<1xf32>
    %slice3A_59 = vector.extract_strided_slice %get3A_58 {offsets = [1], sizes = [1], strides = [1]} : vector<16xf32> to vector<1xf32>
    %squeeze3A_60 = vector.extract %slice3A_59[0] : f32 from vector<1xf32>
    %scan3A_61 = arith.constant 0 : i32
    %scan3A_62 = arith.constant 0 : i32
    %scan3A_63 = arith.constant 32 : i32
    %scan3A_64 = arith.addi %scan3A_62, %scan3A_63 : i32
    %scan3A_65 = arith.constant 1 : i32
    %scan3A_66 = scf.for %scan3A_68 = %scan3A_62 to %scan3A_64 step %scan3A_65 iter_args(%scan3A_69 = %scan3A_61) -> (i32)  : i32 {
      %mul3A_70 = arith.constant 16 : i32
      %mul3A_71 = arith.muli %mul3A_70, %scan3A_68 : i32
      %get3A_72 = arith.index_cast %mul3A_71 : i32 to index
      %get3A_73 = tpu.vector_load %arg15[%get3A_72] {strides = array<i32>} : memref<512xf32, #tpu.memory_space<vmem>>, vector<16xf32>,
      %add3A_74 = vector.broadcast %squeeze3A : f32 to vector<16xf32>
      %add3A_75 = arith.addf %get3A_73, %add3A_74 : vector<16xf32>
      %get3A_76 = arith.index_cast %mul3A_71 : i32 to index
      %get3A_77 = tpu.vector_load %arg16[%get3A_76] {strides = array<i32>} : memref<512xf32, #tpu.memory_space<vmem>>, vector<16xf32>,
      %add3A_78 = vector.broadcast %squeeze3A_60 : f32 to vector<16xf32>
      %add3A_79 = arith.addf %get3A_77, %add3A_78 : vector<16xf32>
      %max3A = arith.maximumf %add3A_75, %add3A_79 : vector<16xf32>
      %sub3A = arith.subf %add3A_75, %add3A_79 : vector<16xf32>
      %abs3A = math.absf %sub3A : vector<16xf32>
      %neg3A = arith.constant 0.000000e+00 : f32
      %neg3A_80 = vector.broadcast %neg3A : f32 to vector<16xf32>
      %neg3A_81 = arith.subf %neg3A_80, %abs3A : vector<16xf32>
      %exp3A = math.exp %neg3A_81 : vector<16xf32>
      %add3A_82 = arith.constant 2.000000e+00 : f32
      %add3A_83 = vector.broadcast %add3A_82 : f32 to vector<16xf32>
      %add3A_84 = arith.addf %add3A_83, %exp3A : vector<16xf32>
      %div3A = arith.divf %exp3A, %add3A_84 : vector<16xf32>
      %mul3A_85 = arith.mulf %div3A, %div3A : vector<16xf32>
      %mul3A_86 = arith.constant 2.000000e+00 : f32
      %mul3A_87 = vector.broadcast %mul3A_86 : f32 to vector<16xf32>
      %mul3A_88 = arith.mulf %mul3A_87, %div3A : vector<16xf32>
      %mul3A_89 = arith.constant 0.111111112 : f32
      %mul3A_90 = vector.broadcast %mul3A_89 : f32 to vector<16xf32>
      %mul3A_91 = arith.mulf %mul3A_85, %mul3A_90 : vector<16xf32>
      %add3A_92 = arith.constant 0.142857149 : f32
      %add3A_93 = vector.broadcast %add3A_92 : f32 to vector<16xf32>
      %add3A_94 = arith.addf %add3A_93, %mul3A_91 : vector<16xf32>
      %mul3A_95 = arith.mulf %mul3A_85, %add3A_94 : vector<16xf32>
      %add3A_96 = arith.constant 2.000000e-01 : f32
      %add3A_97 = vector.broadcast %add3A_96 : f32 to vector<16xf32>
      %add3A_98 = arith.addf %add3A_97, %mul3A_95 : vector<16xf32>
      %mul3A_99 = arith.mulf %mul3A_85, %add3A_98 : vector<16xf32>
      %add3A_100 = arith.constant 0.333333343 : f32
      %add3A_101 = vector.broadcast %add3A_100 : f32 to vector<16xf32>
      %add3A_102 = arith.addf %add3A_101, %mul3A_99 : vector<16xf32>
      %mul3A_103 = arith.mulf %mul3A_85, %add3A_102 : vector<16xf32>
      %add3A_104 = arith.constant 1.000000e+00 : f32
      %add3A_105 = vector.broadcast %add3A_104 : f32 to vector<16xf32>
      %add3A_106 = arith.addf %add3A_105, %mul3A_103 : vector<16xf32>
      %mul3A_107 = arith.mulf %mul3A_88, %add3A_106 : vector<16xf32>
      %add3A_108 = arith.addf %max3A, %mul3A_107 : vector<16xf32>
      %sub3A_109 = arith.subf %add3A_75, %add3A_108 : vector<16xf32>
      %swap3A = arith.index_cast %mul3A_71 : i32 to index
      %swap3A_110 = tpu.vector_load %arg15[%swap3A] {strides = array<i32>} : memref<512xf32, #tpu.memory_space<vmem>>, vector<16xf32>,
      tpu.vector_store %arg15[%swap3A], %sub3A_109 {strides = array<i32>} : memref<512xf32, #tpu.memory_space<vmem>>, vector<16xf32>,
      %sub3A_111 = arith.subf %add3A_79, %add3A_108 : vector<16xf32>
      %swap3A_112 = arith.index_cast %mul3A_71 : i32 to index
      %swap3A_113 = tpu.vector_load %arg16[%swap3A_112] {strides = array<i32>} : memref<512xf32, #tpu.memory_space<vmem>>, vector<16xf32>,
      tpu.vector_store %arg16[%swap3A_112], %sub3A_111 {strides = array<i32>} : memref<512xf32, #tpu.memory_space<vmem>>, vector<16xf32>,
      %scan3A_114 = arith.constant 0 : i32
      scf.yield %scan3A_114 : i32
    }
    %scan3A_67 = arith.constant 32 : i32
    "tpu.region"() ({
      %run_scoped3A = tpu.sem_alloc : memref<!tpu.dma_semaphore, #tpu.memory_space<semaphore_mem>>
      %dma_start3A_68 = tpu.memref_slice %arg6[%mul3A_2] : memref<16384xf32, #tpu.memory_space<hbm>> -> memref<512xf32, #tpu.memory_space<hbm>>
      %dma_start3A_69 = tpu.memref_slice %arg6[%mul3A_2] : memref<16384xf32, #tpu.memory_space<hbm>> -> memref<512xf32, #tpu.memory_space<hbm>>
      tpu.enqueue_dma source(%arg15 : memref<512xf32, #tpu.memory_space<vmem>>) target(%dma_start3A_69 : memref<512xf32, #tpu.memory_space<hbm>>) target_semaphore(%run_scoped3A : memref<!tpu.dma_semaphore, #tpu.memory_space<semaphore_mem>>)
      %dma_wait3A = tpu.memref_slice %arg6[%mul3A_2] : memref<16384xf32, #tpu.memory_space<hbm>> -> memref<512xf32, #tpu.memory_space<hbm>>
      %dma_wait3A_70 = tpu.memref_slice %arg6[%mul3A_2] : memref<16384xf32, #tpu.memory_space<hbm>> -> memref<512xf32, #tpu.memory_space<hbm>>
      tpu.wait_dma2 semaphore(%run_scoped3A : memref<!tpu.dma_semaphore, #tpu.memory_space<semaphore_mem>>) src(%arg15 : memref<512xf32, #tpu.memory_space<vmem>>) dst(%dma_wait3A_70 : memref<512xf32, #tpu.memory_space<hbm>>)
      tpu.yield
    }) : () -> ()
    "tpu.region"() ({
      %run_scoped3A = tpu.sem_alloc : memref<!tpu.dma_semaphore, #tpu.memory_space<semaphore_mem>>
      %dma_start3A_68 = tpu.memref_slice %arg7[%mul3A_2] : memref<16384xf32, #tpu.memory_space<hbm>> -> memref<512xf32, #tpu.memory_space<hbm>>
      %dma_start3A_69 = tpu.memref_slice %arg7[%mul3A_2] : memref<16384xf32, #tpu.memory_space<hbm>> -> memref<512xf32, #tpu.memory_space<hbm>>
      tpu.enqueue_dma source(%arg16 : memref<512xf32, #tpu.memory_space<vmem>>) target(%dma_start3A_69 : memref<512xf32, #tpu.memory_space<hbm>>) target_semaphore(%run_scoped3A : memref<!tpu.dma_semaphore, #tpu.memory_space<semaphore_mem>>)
      %dma_wait3A = tpu.memref_slice %arg7[%mul3A_2] : memref<16384xf32, #tpu.memory_space<hbm>> -> memref<512xf32, #tpu.memory_space<hbm>>
      %dma_wait3A_70 = tpu.memref_slice %arg7[%mul3A_2] : memref<16384xf32, #tpu.memory_space<hbm>> -> memref<512xf32, #tpu.memory_space<hbm>>
      tpu.wait_dma2 semaphore(%run_scoped3A : memref<!tpu.dma_semaphore, #tpu.memory_space<semaphore_mem>>) src(%arg16 : memref<512xf32, #tpu.memory_space<vmem>>) dst(%dma_wait3A_70 : memref<512xf32, #tpu.memory_space<hbm>>)
      tpu.yield
    }) : () -> ()
    return
  }
}

</mosaic_0001>

<sc_bundles>
// kernel: kernel.3.cloned.1.call-start
scs
__scs_entry_jumppad:
0x0: {  	(pc) =	sbr.rel $0x88, $3  }
0x1: {  	(tag) =	ssettag $0x0;
	lr =	simm.s32 $0x1  }
0x2: {  	[smem:$0x3F9D] =	sst lr;
	_ =	strace $0xD0000000  }
0x3: {  	_ = 	snop  }
0x4: {  	_ = 	snop  }
0x5: {  	_ = 	snop  }
0x6: {  	_ = 	snop  }
0x7: {  	_ = 	snop  }
__scs_overlays_trampoline_lowered:
0x8: {  	[smem:$0x3FAC] =	sst s0  }
0x9: {  	[smem:$0x3FAD] =	sst s1  }
0xa: {  	[smem:$0x3FAE] =	sst s2  }
0xb: {  	[smem:$0x3FAF] =	sst s3  }
0xc: {  	[smem:$0x3FB0] =	sst s4  }
0xd: {  	[smem:$0x3FB1] =	sst s5  }
0xe: {  	[smem:$0x3FB2] =	sst s6  }
0xf: {  	[smem:$0x3FB3] =	sst s7  }
0x10: {  	[smem:$0x3FB4] =	sst s8  }
0x11: {  	[smem:$0x3FB5] =	sst s9;
	s0 =	simm.s32 @!p0 $0x0  }
0x12: {  	s1 =	sld [smem:$0x3F9B];
	s0 =	simm.s32 @p0 $0x1  }
0x13: {  	[smem:$0x3FB6] =	sst s0;
	s0 =	simm.s32 @!p1 $0x0  }
0x14: {  	s2 =	sld [smem:$0x3F9A];
	s0 =	simm.s32 @p1 $0x1  }
0x15: {  	[smem:$0x3FB7] =	sst s0;
	s0 =	simm.s32 @!p2 $0x0  }
0x16: {  	s3 =	sld [smem:$0x3FDB];
	s0 =	simm.s32 @p2 $0x1  }
0x17: {  	s4 =	simm.s32 $0x1BF5;
	[smem:$0x3FB9] =	sst s0  }
0x18: {  	s0 =	sld [smem:$0x3F9C];
	_ =	swait.ge [sflag:s4], $0x0  }
0x19: {  	s7 =	sld [smem:$0x3F9D]  }
0x1a: {  	s8 =	sadd.s32 $0xFFFFE003, lr  }
0x1b: {  	s9 =	sadd.s32 $0xFFFFFEF7, lr;
	s5 =	simm.s32 $0xFFFFFFFF;
	p2 =	slt.u32 s8, $0xFFFFF086  }
0x1c: {  	p1 =	slt.u32 s9, $0xF7A;
	s5 =	simm.s32 @!p2 $0x0  }
0x1d: {  	s5 =	simm.s32 @p1 $0x1;
	p0 =	seq.s32 s7, s2  }
0x1e: {  	s7 =	smul.u32 @!p0 $0xF7A, s2;
	p2 =	seq.s32 @!p0 s5, $0x0  }
0x1f: {  	s9 =	smul.u32 $0xF7A, s1;
	s8 =	simm.s32 @!p0 $0x1BF5;
	p2 =	por !p2, p0  }
0x20: {  	[sflag:s8] =	ssyncset.s32 @!p0 $0xFFFFF086;
	s6 =	sadd.s32 @!p0 s3, s7;
	s7 =	simm.s32 @!p0 $0x108  }
0x21: {  	s3 =	sadd.s32 s3, s9;
	s6 =	sadd.s32 @!p0 $0x88, s6;
	s7 =	simm.s32 @p2 $0x1082  }
0x22: {  	[simem:s7], [sflag:s8] =	dma.local @!p0 [hbm:s6], $0xF7A  }
0x23: {  	s9 =	sor.u32 $0xD0000000, s2;
	s6 =	simm.s32 $0x108;
	_ =	swait.ge @!p0 [sflag:s8], $0x0  }
0x24: {  	s3 =	sadd.s32 $0x88, s3;
	s6 =	simm.s32 @!p1 $0x1082;
	[sflag:s4] =	ssyncset.s32 $0xFFFFF086  }
0x25: {  	[simem:s6], [sflag:s4] =	dma.local [hbm:s3], $0xF7A  }
0x26: {  	[smem:$0x3F9D] =	sst s1;
	(tag) =	ssettag s2;
	_ =	strace s9  }
0x27: {  	s1 =	sld [smem:$0x3FAD]  }
0x28: {  	s2 =	sld [smem:$0x3FAE]  }
0x29: {  	s4 =	sld [smem:$0x3FB0]  }
0x2a: {  	p0 =	seq.s32 s5, $0x0;
	s5 =	sld [smem:$0x3FB1]  }
0x2b: {  	s6 =	sld [smem:$0x3FB2]  }
0x2c: {  	s7 =	sld [smem:$0x3FB3]  }
0x2d: {  	s3 =	simm.s32 $0x108;
	s8 =	sld [smem:$0x3FB4]  }
0x2e: {  	s3 =	simm.s32 @!p0 $0x1082;
	s9 =	sld [smem:$0x3FB5]  }
0x2f: {  	lr =	sadd.s32 s0, s3;
	s0 =	sld [smem:$0x3FAC]  }
0x30: {  	s3 =	sld [smem:$0x3FAF]  }
0x31: {  	[smem:$0x3FB8] =	sst s10  }
0x32: {  	s10 =	sld [smem:$0x3FB6];
	_ =	sdelay $0x3  }
0x33: {  	p0 =	seq.s32 s10, $0x1;
	s10 =	sld [smem:$0x3FB8];
	_ =	sdelay $0x3  }
0x34: {  	[smem:$0x3FB8] =	sst s10  }
0x35: {  	s10 =	sld [smem:$0x3FB7];
	_ =	sdelay $0x3  }
0x36: {  	p1 =	seq.s32 s10, $0x1;
	s10 =	sld [smem:$0x3FB8];
	_ =	sdelay $0x3  }
0x37: {  	[smem:$0x3FB8] =	sst s10  }
0x38: {  	s10 =	sld [smem:$0x3FB9]  }
0x39: {  	_ = 	snop;
	(pc) =	sbr.ind lr, $3  }
0x3a: {  	_ = 	snop  }
0x3b: {  	_ = 	snop  }
0x3c: {  	p2 =	seq.s32 s10, $0x1;
	s10 =	sld [smem:$0x3FB8]  }
0x3d: {  	_ =	shalt  }
0x3e: {  	_ =	shalt  }
0x3f: {  	_ =	shalt  }
0x40: {  	_ =	shalt  }
0x41: {  	_ =	shalt  }
0x42: {  	_ =	shalt  }
0x43: {  	_ =	shalt  }
0x44: {  	_ =	shalt  }
0x45: {  	_ =	shalt  }
0x46: {  	_ =	shalt  }
0x47: {  	_ =	shalt  }
0x48: {  	_ =	shalt  }
0x49: {  	_ =	shalt  }
0x4a: {  	_ =	shalt  }
0x4b: {  	_ =	shalt  }
0x4c: {  	_ =	shalt  }
0x4d: {  	_ =	shalt  }
0x4e: {  	_ =	shalt  }
0x4f: {  	_ =	shalt  }
0x50: {  	_ =	shalt  }
0x51: {  	_ =	shalt  }
0x52: {  	_ =	shalt  }
0x53: {  	_ =	shalt  }
0x54: {  	_ =	shalt  }
0x55: {  	_ =	shalt  }
0x56: {  	_ =	shalt  }
0x57: {  	_ =	shalt  }
0x58: {  	_ =	shalt  }
0x59: {  	_ =	shalt  }
0x5a: {  	_ =	shalt  }
0x5b: {  	_ =	shalt  }
0x5c: {  	_ =	shalt  }
0x5d: {  	_ =	shalt  }
0x5e: {  	_ =	shalt  }
0x5f: {  	_ =	shalt  }
0x60: {  	_ =	shalt  }
0x61: {  	_ =	shalt  }
0x62: {  	_ =	shalt  }
0x63: {  	_ =	shalt  }
0x64: {  	_ =	shalt  }
0x65: {  	_ =	shalt  }
0x66: {  	_ =	shalt  }
0x67: {  	_ =	shalt  }
0x68: {  	_ =	shalt  }
0x69: {  	_ =	shalt  }
0x6a: {  	_ =	shalt  }
0x6b: {  	_ =	shalt  }
0x6c: {  	_ =	shalt  }
0x6d: {  	_ =	shalt  }
0x6e: {  	_ =	shalt  }
0x6f: {  	_ =	shalt  }
0x70: {  	_ =	shalt  }
0x71: {  	_ =	shalt  }
0x72: {  	_ =	shalt  }
0x73: {  	_ =	shalt  }
0x74: {  	_ =	shalt  }
0x75: {  	_ =	shalt  }
0x76: {  	_ =	shalt  }
0x77: {  	_ =	shalt  }
0x78: {  	_ =	shalt  }
0x79: {  	_ =	shalt  }
0x7a: {  	_ =	shalt  }
0x7b: {  	_ =	shalt  }
0x7c: {  	_ =	shalt  }
0x7d: {  	_ =	shalt  }
0x7e: {  	_ =	shalt  }
0x7f: {  	_ =	shalt  }
0x80: {  	_ =	shalt  }
0x81: {  	_ =	shalt  }
0x82: {  	_ =	shalt  }
0x83: {  	_ =	shalt  }
0x84: {  	_ =	shalt  }
0x85: {  	_ =	shalt  }
0x86: {  	_ =	shalt  }
0x87: {  	_ =	shalt  }
.Lfunc_end0:
.L_simem_size_0:
called_computation_lowered:
.L_overlay_start_0:
0x88: {  	s2 =	sld [smem:$0x3FD9]  }
0x89: {  	s3 =	sld [smem:$0x3FFE];
	_ =	sdelay $0x1  }
0x8a: {  	s1 =	srdreg.scid  }
0x8b: {  	s0 =	sand.u32 $0x1, s1  }
0x8c: {  	s17 =	sshll.u32 s0, $0xA;
	s2 =	sadd.s32 s3, s2  }
0x8d: {  	s2 =	sadd.s32 s2, s17  }
0x8e: {  	[smem:$0x3FC4] =	sst s2  }
0x8f: {  	_ = 	snop  }
0x90: {  	s2 =	sld [smem:$0x3FC8]  }
0x91: {  	s18 =	sld [smem:$0x3FD0];
	(tm) =	ssettm $0x1  }
0x92: {  	s4 =	sld [smem:$0x3FFB];
	_ =	sdelay $0x3  }
0x93: {  	_ =	strace s4  }
0x94: {  	s4 =	sld [smem:$0x3FFC];
	_ =	sdelay $0x3  }
0x95: {  	_ =	strace s4  }
0x96: {  	s4 =	sld [smem:$0x3FFD];
	_ =	sdelay $0x3  }
0x97: {  	_ =	strace s4  }
0x98: {  	_ =	strace $0x8FFFFFFF  }
0x99: {  	s19 =	sld [smem:$0x3FDB];
	_ =	sdelay $0x1  }
0x9a: {  	s5 =	simm.s32 $_scs_section_size  }
0x9b: {  	s6 =	simm.s32 $_size__tile_overlayer_lowered;
	s7 =	simm.s32 $_tile_overlayer_lowered  }
0x9c: {  	s22 =	simm.s32 $0x1BFF;
	s21 =	sshll.u32 s7, $0x1;
	s4 =	sadd.s32 s5, s19  }
0x9d: {  	s8 =	simm.s32 $0x0;
	s20 =	sshll.u32 s6, $0x1;
	s6 =	sadd.s32 s21, s4  }
0x9e: {  	[timem:s8], [sflag:s22] =	dma.local [hbm:s6], s20  }
0x9f: {  	_ =	swait.ge [sflag:s22], s20  }
0xa0: {  	s5 =	ssub.s32 $0x0, s20;
	[sflag:s22] =	ssyncset.done $0x0  }
0xa1: {  	[sflag:s22] =	ssyncadd.s32 s5;
	_ =	sdelay $0x1  }
0xa2: {  	s23 =	simm.s32 $0x1B8B  }
0xa3: {  	_ =	swait.ge [sflag:s23], $0x1  }
0xa4: {  	[sflag:s23] =	ssyncset.done $0x0  }
0xa5: {  	s25 =	simm.s32 $0x1B8E;
	s24 =	sld [smem:$0x3FFE];
	[sflag:s23] =	ssyncadd.s32 $0xFFFFFFFF  }
0xa6: {  	s26 =	simm.s32 $execute0_lowered;
	[smem:$0x3FD2] =	sst s25  }
0xa7: {  	s6 =	sshll.u32 s26, $0x1;
	_ =	strace $0x80000046;
	[dreg:$0x1] =	wrdreg $0xFFFFFFFF  }
0xa8: {  	s28 =	simm.s32 $_size_execute0_lowered;
	s4 =	sadd.s32 s4, s6;
	[dreg:$0x0] =	wrdreg $0x0  }
0xa9: {  	s6 =	sshll.u32 s28, $0x1;
	[dreg:$0x2] =	wrdreg s4  }
0xaa: {  	[dreg:$0x3] =	wrdreg s6  }
0xab: {  	[dreg:$0x4] =	wrdreg $0xC0  }
0xac: {  	_ =	task [dreg:s8], $0x5FFFF  }
0xad: {  	[dreg:$0x1] =	wrdreg $0xFFFFFFFF  }
0xae: {  	[dreg:$0x0] =	wrdreg $0x60  }
0xaf: {  	[dreg:$0x2] =	wrdreg s2  }
0xb0: {  	[dreg:$0x3] =	wrdreg s24  }
0xb1: {  	[dreg:$0x4] =	wrdreg s18  }
0xb2: {  	[dreg:$0x5] =	wrdreg $0x9  }
0xb3: {  	_ =	task.clear_ibuf [dreg:s8], $0x6FFFF;
	_ =	strace $0x90000046  }
0xb4: {  	s29 =	simm.s32 $0x9;
	_ =	strace $0x80000048  }
0xb5: {  	_ =	swait.ge [sflag:s29], $0x1  }
0xb6: {  	[sflag:s29] =	ssyncadd.s32 $0xFFFFFFFF  }
0xb7: {  	_ =	strace $0x90000048  }
0xb8: {  	_ =	sfence  }
0xb9: {  	s30 =	sld [smem:$0x0];
	_ =	sdelay $0x2  }
0xba: {  	s31 =	sshll.u32 s1, $0xD;
	s1 =	sshrl.u32 s1, $0x2  }
0xbb: {  	s3 =	sand.u32 $0x4000, s31;
	s1 =	sadd.s32 s1, s30  }
0xbc: {  	s0 =	sor.u32 s3, s0;
	s1 =	sshll.u32 s1, $0x11  }
0xbd: {  	s0 =	sor.u32 s1, s0  }
0xbe: {  	s0 =	sadd.s32 $0x8F2B, s0  }
0xbf: {  	[sflag:s0] =	ssyncadd.remote.s32 $0x1  }
0xc0: {  	_ =	sfence.sel $0xFFFF  }
0xc1: {  	[dreg:$0x0] =	wrdreg $0xFFFFFFFF;
	(pc) =	sbr.abs _section_cstart, $3  }
0xc2: {  	[dreg:$0x1] =	wrdreg $0xFFFFFFFF  }
0xc3: {  	_ =	task.clear_ibuf [dreg:s8], $0x2FFFF;
	_ =	strace $0x9FFFFFFF  }
0xc4: {  	(tm) =	ssettm $0x7FFFFFFF  }
0xc5: {  	_ =	shalt  }
tec
execute0_lowered:
.L_overlay_start_1:
0x0: {  	(tag) =	ssettag $0x1  }
0x1: {  	s1 =	rddreg [dreg:$0x0]  }
0x2: {  	s0 =	rddreg [dreg:$0x1]  }
0x3: {  	s2 =	rddreg [dreg:$0x2];
	s3 =	srdreg.scid  }
0x4: {  	s5 =	stileid.u32;
	s21 =	simm.s32 $0x3;
	s8 =	simm.s32 $0x9880  }
0x5: {  	s9 =	simm.s32 $0xA080;
	s10 =	simm.s32 $0xA880;
	s11 =	simm.s32 $0xB080  }
0x6: {  	s12 =	simm.s32 $0xB880;
	s13 =	simm.s32 $0xC080;
	s14 =	simm.s32 $0xC880  }
0x7: {  	s15 =	simm.s32 $0xD080;
	s16 =	simm.s32 $0xD880;
	s28 =	simm.s32 $0xE080  }
0x8: {  	s29 =	simm.s32 $0xE880;
	s30 =	simm.s32 $0xF080;
	s31 =	simm.s32 $0xF880  }
0x9: {  	s17 =	simm.s32 $0x400;
	s18 =	simm.s32 $0x1;
	s19 =	simm.s32 $0x2  }
0xa: {  	s4 =	sand.u32 $0x1, s3;
	s3 =	simm.s32 $0x0;
	s5 =	sshll.u32 s5, $0x7  }
0xb: {  	s6 =	sshll.u32 s4, $0x6;
	[smem:$0x7FF] =	sst s3;
	s4 =	ssub.s32 $0x2, s4  }
0xc: {  	s5 =	sor.u32 s6, s5;
	_ =	strace $0x80000047;
	s7 =	sshrl.u32 s4, $0x1  }
0xd: {  	s6 =	sadd.s32 s5, s0;
	s0 =	sadd.s32 $0x1200, s0;
	s23 =	ssub.s32 s4, s7  }
0xe: {  	s2 =	sadd.s32 s2, s5;
	s7 =	sadd.s32 $0x100, s1;
	[dreg:$0x4] =	wrdreg s0  }
0xf: {  	s4 =	simm.s32 $0x8080;
	s24 =	sadd.s32 $0xA00, s6;
	[dreg:$0x6] =	wrdreg s2  }
0x10: {  	s5 =	simm.s32 $0x8880;
	s25 =	sadd.s32 $0x1600, s6;
	[dreg:$0x5] =	wrdreg s24  }
0x11: {  	s26 =	sadd.s32 $0x1E00, s6;
	s0 =	smax.u32 s23, $0x1;
	[dreg:$0x7] =	wrdreg s25  }
0x12: {  	v3 =	vlaneseq.u32;
	s2 =	simm.s32 $0x7880;
	s6 =	simm.s32 $0x9080;
	[dreg:$0x8] =	wrdreg s26  }
0x13: {  	vm0 =	vmmov $0xffff;
	v1 =	vshrl.u32 v3, $0x3;
	v0 =	vand.u32 $0x7, v3;
	s23 =	simm.s32 $0x10080;
	[dreg:$0x9] =	wrdreg s0;
	s24 =	simm.s32 $0x10880  }
0x14: {  	v2 =	vor.u32 $0x8, v3;
	v3 =	vmul.u32 $0x2, v3;
	v1 =	vmul.u32 $0x8, v1;
	s25 =	simm.s32 $0x11080;
	s26 =	simm.s32 $0x11880;
	s0 =	simm.s32 $0x0  }
.LBB2_1:
0x15: {  	[dreg:$0xa] =	wrdreg s0  }
0x16: {  	s20 =	rddreg [dreg:$0x5]  }
0x17: {  	[tilespmem:s3], [sflag:$0x3] =	stream.linear.gather [hbm4b:s20+s3], $0x200, $0x38;
	[tilespmem:$0x12080] =	vst v63  }
0x18: {  	_ =	swait.ge [sflag:s21], $0x200  }
0x19: {  	[sflag:s21] =	ssyncset.done $0x0  }
0x1a: {  	s22 =	simm.s32 $0x200;
	s0 =	rddreg [dreg:$0x6];
	[sflag:s21] =	ssyncadd.s32 $0xFFFFFE00  }
0x1b: {  	[tilespmem:s22], [sflag:$0x3] =	stream.linear.gather [hbm4b:s0+s3], $0x200, $0x38;
	[tilespmem:$0x12080] =	vst v63  }
0x1c: {  	_ =	swait.ge [sflag:s21], $0x200  }
0x1d: {  	[sflag:s21] =	ssyncset.done $0x0  }
0x1e: {  	[sflag:s21] =	ssyncadd.s32 $0xFFFFFE00  }
0x1f: {  	v4 =	vld [tilespmem:$0x0];
	_ =	sdelay $0x4  }
0x20: {  	v5 =	vshll.u32 v4, $0x2  }
0x21: {  	v4 =	vand.u32 $0x7, v4;
	v5 =	vand.u32 $0xFFFFFFE0, v5  }
0x22: {  	v4 =	vor.u32 v4, v5  }
0x23: {  	v5 =	vperm.xlane v4, v0;
	_ =	sdelay $0x1  }
0x24: {  	v5 =	vadd.s32 v1, v5;
	_ =	sdelay $0x1  }
0x25: {  	v4 =	vperm.xlane v4, v2;
	_ =	sdelay $0x1  }
0x26: {  	s20 =	simm.s32 $0x2080;
	v4 =	vadd.s32 v1, v4  }
0x27: {  	[tilespmem:s20], [sflag:$0x1] =	stream.indirect_vreg.gather [hbm4b:s1+s3], $0x80, v5, vm0, $0xb8;
	[tilespmem:$0x12080] =	vst v63  }
0x28: {  	s22 =	simm.s32 $0x2880  }
0x29: {  	[tilespmem:s22], [sflag:$0x1] =	stream.indirect_vreg.gather [hbm4b:s7+s3], $0x80, v5, vm0, $0xb8;
	[tilespmem:$0x12080] =	vst v63  }
0x2a: {  	s20 =	simm.s32 $0x3080  }
0x2b: {  	[tilespmem:s20], [sflag:$0x1] =	stream.indirect_vreg.gather [hbm4b:s1+s3], $0x80, v4, vm0, $0xb8;
	[tilespmem:$0x12080] =	vst v63  }
0x2c: {  	s22 =	simm.s32 $0x3880  }
0x2d: {  	[tilespmem:s22], [sflag:$0x1] =	stream.indirect_vreg.gather [hbm4b:s7+s3], $0x80, v4, vm0, $0xb8;
	[tilespmem:$0x12080] =	vst v63  }
0x2e: {  	v4 =	vld [tilespmem:$0x10];
	_ =	sdelay $0x4  }
0x2f: {  	v5 =	vshll.u32 v4, $0x2  }
0x30: {  	v4 =	vand.u32 $0x7, v4;
	v5 =	vand.u32 $0xFFFFFFE0, v5  }
0x31: {  	v4 =	vor.u32 v4, v5  }
0x32: {  	v5 =	vperm.xlane v4, v0;
	_ =	sdelay $0x1  }
0x33: {  	v5 =	vadd.s32 v1, v5;
	_ =	sdelay $0x1  }
0x34: {  	v4 =	vperm.xlane v4, v2;
	_ =	sdelay $0x1  }
0x35: {  	s20 =	simm.s32 $0x4080;
	v4 =	vadd.s32 v1, v4  }
0x36: {  	[tilespmem:s20], [sflag:$0x1] =	stream.indirect_vreg.gather [hbm4b:s1+s3], $0x80, v5, vm0, $0xb8;
	[tilespmem:$0x12080] =	vst v63  }
0x37: {  	s22 =	simm.s32 $0x4880  }
0x38: {  	[tilespmem:s22], [sflag:$0x1] =	stream.indirect_vreg.gather [hbm4b:s7+s3], $0x80, v5, vm0, $0xb8;
	[tilespmem:$0x12080] =	vst v63  }
0x39: {  	s20 =	simm.s32 $0x5080  }
0x3a: {  	[tilespmem:s20], [sflag:$0x1] =	stream.indirect_vreg.gather [hbm4b:s1+s3], $0x80, v4, vm0, $0xb8;
	[tilespmem:$0x12080] =	vst v63  }
0x3b: {  	s22 =	simm.s32 $0x5880  }
0x3c: {  	[tilespmem:s22], [sflag:$0x1] =	stream.indirect_vreg.gather [hbm4b:s7+s3], $0x80, v4, vm0, $0xb8;
	[tilespmem:$0x12080] =	vst v63  }
0x3d: {  	v4 =	vld [tilespmem:$0x200];
	_ =	sdelay $0x4  }
0x3e: {  	v5 =	vshll.u32 v4, $0x2  }
0x3f: {  	v4 =	vand.u32 $0x7, v4;
	v5 =	vand.u32 $0xFFFFFFE0, v5  }
0x40: {  	v4 =	vor.u32 v4, v5  }
0x41: {  	v5 =	vperm.xlane v4, v0;
	_ =	sdelay $0x1  }
0x42: {  	v5 =	vadd.s32 v1, v5;
	_ =	sdelay $0x1  }
0x43: {  	v4 =	vperm.xlane v4, v2;
	_ =	sdelay $0x1  }
0x44: {  	s0 =	simm.s32 $0x6080;
	v4 =	vadd.s32 v1, v4  }
0x45: {  	[tilespmem:s0], [sflag:$0x1] =	stream.indirect_vreg.gather [hbm4b:s1+s3], $0x80, v5, vm0, $0xb8;
	[tilespmem:$0x12080] =	vst v63  }
0x46: {  	s20 =	simm.s32 $0x6880  }
0x47: {  	[tilespmem:s20], [sflag:$0x1] =	stream.indirect_vreg.gather [hbm4b:s7+s3], $0x80, v5, vm0, $0xb8;
	[tilespmem:$0x12080] =	vst v63  }
0x48: {  	s22 =	simm.s32 $0x7080  }
0x49: {  	[tilespmem:s22], [sflag:$0x1] =	stream.indirect_vreg.gather [hbm4b:s1+s3], $0x80, v4, vm0, $0xb8;
	[tilespmem:$0x12080] =	vst v63  }
0x4a: {  	_ = 	snop  }
0x4b: {  	[tilespmem:s2], [sflag:$0x1] =	stream.indirect_vreg.gather [hbm4b:s7+s3], $0x80, v4, vm0, $0xb8;
	[tilespmem:$0x12080] =	vst v63  }
0x4c: {  	v4 =	vld [tilespmem:$0x210];
	_ =	sdelay $0x4  }
0x4d: {  	v5 =	vshll.u32 v4, $0x2  }
0x4e: {  	v4 =	vand.u32 $0x7, v4;
	v5 =	vand.u32 $0xFFFFFFE0, v5  }
0x4f: {  	v4 =	vor.u32 v4, v5  }
0x50: {  	v5 =	vperm.xlane v4, v0;
	_ =	sdelay $0x1  }
0x51: {  	v5 =	vadd.s32 v1, v5;
	_ =	sdelay $0x1  }
0x52: {  	v4 =	vperm.xlane v4, v2;
	_ =	sdelay $0x1  }
0x53: {  	v4 =	vadd.s32 v1, v4  }
0x54: {  	[tilespmem:s4], [sflag:$0x1] =	stream.indirect_vreg.gather [hbm4b:s1+s3], $0x80, v5, vm0, $0xb8;
	[tilespmem:$0x12080] =	vst v63  }
0x55: {  	_ = 	snop  }
0x56: {  	[tilespmem:s5], [sflag:$0x1] =	stream.indirect_vreg.gather [hbm4b:s7+s3], $0x80, v5, vm0, $0xb8;
	[tilespmem:$0x12080] =	vst v63  }
0x57: {  	_ = 	snop  }
0x58: {  	[tilespmem:s6], [sflag:$0x1] =	stream.indirect_vreg.gather [hbm4b:s1+s3], $0x80, v4, vm0, $0xb8;
	[tilespmem:$0x12080] =	vst v63  }
0x59: {  	_ = 	snop  }
0x5a: {  	[tilespmem:s8], [sflag:$0x1] =	stream.indirect_vreg.gather [hbm4b:s7+s3], $0x80, v4, vm0, $0xb8;
	[tilespmem:$0x12080] =	vst v63  }
0x5b: {  	v4 =	vld [tilespmem:$0x20];
	_ =	sdelay $0x4  }
0x5c: {  	v5 =	vshll.u32 v4, $0x2  }
0x5d: {  	v4 =	vand.u32 $0x7, v4;
	v5 =	vand.u32 $0xFFFFFFE0, v5  }
0x5e: {  	v4 =	vor.u32 v4, v5  }
0x5f: {  	v5 =	vperm.xlane v4, v0;
	_ =	sdelay $0x1  }
0x60: {  	v5 =	vadd.s32 v1, v5;
	_ =	sdelay $0x1  }
0x61: {  	v4 =	vperm.xlane v4, v2;
	_ =	sdelay $0x1  }
0x62: {  	v4 =	vadd.s32 v1, v4  }
0x63: {  	[tilespmem:s9], [sflag:$0x2] =	stream.indirect_vreg.gather [hbm4b:s1+s3], $0x80, v5, vm0, $0xb8;
	[tilespmem:$0x12080] =	vst v63  }
0x64: {  	_ = 	snop  }
0x65: {  	[tilespmem:s10], [sflag:$0x2] =	stream.indirect_vreg.gather [hbm4b:s7+s3], $0x80, v5, vm0, $0xb8;
	[tilespmem:$0x12080] =	vst v63  }
0x66: {  	_ = 	snop  }
0x67: {  	[tilespmem:s11], [sflag:$0x2] =	stream.indirect_vreg.gather [hbm4b:s1+s3], $0x80, v4, vm0, $0xb8;
	[tilespmem:$0x12080] =	vst v63  }
0x68: {  	_ = 	snop  }
0x69: {  	[tilespmem:s12], [sflag:$0x2] =	stream.indirect_vreg.gather [hbm4b:s7+s3], $0x80, v4, vm0, $0xb8;
	[tilespmem:$0x12080] =	vst v63  }
0x6a: {  	v4 =	vld [tilespmem:$0x30];
	_ =	sdelay $0x4  }
0x6b: {  	v5 =	vshll.u32 v4, $0x2  }
0x6c: {  	v4 =	vand.u32 $0x7, v4;
	v5 =	vand.u32 $0xFFFFFFE0, v5  }
0x6d: {  	v4 =	vor.u32 v4, v5  }
0x6e: {  	v5 =	vperm.xlane v4, v0;
	_ =	sdelay $0x1  }
0x6f: {  	v5 =	vadd.s32 v1, v5;
	_ =	sdelay $0x1  }
0x70: {  	v4 =	vperm.xlane v4, v2;
	_ =	sdelay $0x1  }
0x71: {  	v4 =	vadd.s32 v1, v4  }
0x72: {  	[tilespmem:s13], [sflag:$0x2] =	stream.indirect_vreg.gather [hbm4b:s1+s3], $0x80, v5, vm0, $0xb8;
	[tilespmem:$0x12080] =	vst v63  }
0x73: {  	_ = 	snop  }
0x74: {  	[tilespmem:s14], [sflag:$0x2] =	stream.indirect_vreg.gather [hbm4b:s7+s3], $0x80, v5, vm0, $0xb8;
	[tilespmem:$0x12080] =	vst v63  }
0x75: {  	_ = 	snop  }
0x76: {  	[tilespmem:s15], [sflag:$0x2] =	stream.indirect_vreg.gather [hbm4b:s1+s3], $0x80, v4, vm0, $0xb8;
	[tilespmem:$0x12080] =	vst v63  }
0x77: {  	_ = 	snop  }
0x78: {  	[tilespmem:s16], [sflag:$0x2] =	stream.indirect_vreg.gather [hbm4b:s7+s3], $0x80, v4, vm0, $0xb8;
	[tilespmem:$0x12080] =	vst v63  }
0x79: {  	v4 =	vld [tilespmem:$0x220];
	_ =	sdelay $0x4  }
0x7a: {  	v5 =	vshll.u32 v4, $0x2  }
0x7b: {  	v4 =	vand.u32 $0x7, v4;
	v5 =	vand.u32 $0xFFFFFFE0, v5  }
0x7c: {  	v4 =	vor.u32 v4, v5  }
0x7d: {  	v5 =	vperm.xlane v4, v0;
	_ =	sdelay $0x1  }
0x7e: {  	v5 =	vadd.s32 v1, v5;
	_ =	sdelay $0x1  }
0x7f: {  	v4 =	vperm.xlane v4, v2;
	_ =	sdelay $0x1  }
0x80: {  	v4 =	vadd.s32 v1, v4  }
0x81: {  	[tilespmem:s28], [sflag:$0x2] =	stream.indirect_vreg.gather [hbm4b:s1+s3], $0x80, v5, vm0, $0xb8;
	[tilespmem:$0x12080] =	vst v63  }
0x82: {  	_ = 	snop  }
0x83: {  	[tilespmem:s29], [sflag:$0x2] =	stream.indirect_vreg.gather [hbm4b:s7+s3], $0x80, v5, vm0, $0xb8;
	[tilespmem:$0x12080] =	vst v63  }
0x84: {  	_ = 	snop  }
0x85: {  	[tilespmem:s30], [sflag:$0x2] =	stream.indirect_vreg.gather [hbm4b:s1+s3], $0x80, v4, vm0, $0xb8;
	[tilespmem:$0x12080] =	vst v63  }
0x86: {  	_ = 	snop  }
0x87: {  	[tilespmem:s31], [sflag:$0x2] =	stream.indirect_vreg.gather [hbm4b:s7+s3], $0x80, v4, vm0, $0xb8;
	[tilespmem:$0x12080] =	vst v63  }
0x88: {  	v4 =	vld [tilespmem:$0x230];
	_ =	sdelay $0x4  }
0x89: {  	v5 =	vshll.u32 v4, $0x2  }
0x8a: {  	v4 =	vand.u32 $0x7, v4;
	v5 =	vand.u32 $0xFFFFFFE0, v5  }
0x8b: {  	v4 =	vor.u32 v4, v5  }
0x8c: {  	v5 =	vperm.xlane v4, v0;
	_ =	sdelay $0x1  }
0x8d: {  	v5 =	vadd.s32 v1, v5;
	_ =	sdelay $0x1  }
0x8e: {  	v4 =	vperm.xlane v4, v2;
	_ =	sdelay $0x1  }
0x8f: {  	v4 =	vadd.s32 v1, v4  }
0x90: {  	[tilespmem:s23], [sflag:$0x2] =	stream.indirect_vreg.gather [hbm4b:s1+s3], $0x80, v5, vm0, $0xb8;
	[tilespmem:$0x12080] =	vst v63  }
0x91: {  	_ = 	snop  }
0x92: {  	[tilespmem:s24], [sflag:$0x2] =	stream.indirect_vreg.gather [hbm4b:s7+s3], $0x80, v5, vm0, $0xb8;
	[tilespmem:$0x12080] =	vst v63  }
0x93: {  	_ = 	snop  }
0x94: {  	[tilespmem:s25], [sflag:$0x2] =	stream.indirect_vreg.gather [hbm4b:s1+s3], $0x80, v4, vm0, $0xb8;
	[tilespmem:$0x12080] =	vst v63  }
0x95: {  	v5 =	vmov s3  }
0x96: {  	[tilespmem:s26], [sflag:$0x2] =	stream.indirect_vreg.gather [hbm4b:s7+s3], $0x80, v4, vm0, $0xb8;
	v4 =	vshll.u32 v5, $0x1;
	[tilespmem:$0x12080] =	vst v63  }
0x97: {  	s30 =	rddreg [dreg:$0x4];
	v4 =	vor.u32 v3, v4  }
0x98: {  	[tilespmem:s17], [sflag:$0x3] =	stream.linear.gather [hbm4b:s30+s3], $0x1080, $0x38;
	v5 =	vor.u32 $0x1, v4;
	[tilespmem:$0x12080] =	vst v63  }
0x99: {  	v7 =	vor.u32 $0x400, v4;
	_ =	swait.ge [sflag:s21], $0x1080  }
0x9a: {  	v8 =	vor.u32 $0x401, v4;
	[sflag:s21] =	ssyncset.done $0x0  }
0x9b: {  	v9 =	vor.u32 $0x800, v4;
	[sflag:s21] =	ssyncadd.s32 $0xFFFFEF80  }
0x9c: {  	v14 =	vor.u32 $0x801, v4;
	v11 =	vld.idx.msk [tilespmem:v4+s17+$0x0], $0xffff  }
0x9d: {  	v15 =	vor.u32 $0xC00, v4;
	v6 =	vld.idx.msk [tilespmem:v5+s17+$0x0], $0xffff  }
0x9e: {  	s31 =	simm.s32 $0x10;
	v12 =	vld.idx.msk [tilespmem:v7+s17+$0x0], $0xffff;
	v5 =	vor.u32 $0xC01, v4  }
0x9f: {  	v10 =	vld.idx.msk [tilespmem:v8+s17+$0x0], $0xffff;
	v4 =	vmov s31  }
0xa0: {  	v13 =	vld.idx.msk [tilespmem:v9+s17+$0x0], $0xffff;
	v4 =	vshll.u32 v4, $0x1  }
0xa1: {  	s20 =	simm.s32 $0x1680;
	s22 =	simm.s32 $0x1890;
	s28 =	simm.s32 $0x1480;
	v14 =	vld.idx.msk [tilespmem:v14+s17+$0x0], $0xffff;
	v4 =	vor.u32 v3, v4  }
0xa2: {  	s29 =	simm.s32 $0x20;
	s23 =	simm.s32 $0x1A90;
	s24 =	simm.s32 $0x1880;
	v15 =	vld.idx.msk [tilespmem:v15+s17+$0x0], $0xffff;
	v8 =	vor.u32 $0x400, v4;
	v9 =	vor.u32 $0x1, v4  }
0xa3: {  	s25 =	simm.s32 $0x1A80;
	s26 =	simm.s32 $0x1680;
	s21 =	simm.s32 $0x1480;
	v7 =	vor.u32 $0x800, v4;
	v16 =	vld.idx.msk [tilespmem:v5+s17+$0x0], $0xffff;
	v5 =	vor.u32 $0x801, v4;
	v17 =	vadd.f32 v12, v11  }
.LBB2_2:
0xa4: {  	s21 =	sadd.s32 $0x10, s21  }
0xa5: {  	v18 =	vor.u32 $0xC00, v4;
	v19 =	vadd.f32 v10, v6;
	v11 =	vsub.f32 v12, v11;
	s20 =	sadd.s32 $0x10, s20;
	s30 =	smov.u32 s29;
	s31 =	sadd.s32 $0x10, s29  }
0xa6: {  	p0 =	sne.s32 s29, $0x1F0;
	v20 =	vor.u32 $0x401, v4;
	v12 =	vadd.f32 v13, v17  }
0xa7: {  	v6 =	vsub.f32 v10, v6;
	v13 =	vadd.f32 v14, v19  }
0xa8: {  	v10 =	vadd.f32 v15, v11;
	[tilespmem:s28+$0x0] =	vst v12;
	s28 =	smov.u32 s21  }
0xa9: {  	v6 =	vadd.f32 v16, v6;
	[tilespmem:s26+$0x0] =	vst v13;
	s26 =	smov.u32 s20  }
0xaa: {  	[tilespmem:s24+$0x0] =	vst v10;
	s24 =	smov.u32 s22  }
0xab: {  	[tilespmem:s25+$0x0] =	vst v6;
	s25 =	smov.u32 s23  }
0xac: {  	v11 =	vld.idx.msk [tilespmem:v4+s17+$0x0], $0xffff  }
0xad: {  	v6 =	vld.idx.msk [tilespmem:v9+s17+$0x0], $0xffff  }
0xae: {  	v16 =	vor.u32 $0xC01, v4;
	v12 =	vld.idx.msk [tilespmem:v8+s17+$0x0], $0xffff  }
0xaf: {  	v10 =	vld.idx.msk [tilespmem:v20+s17+$0x0], $0xffff  }
.Ltmp0:
0xb0: {  	v4 =	vmov s30;
	v13 =	vld.idx.msk [tilespmem:v7+s17+$0x0], $0xffff;
	(pc) =	sbr.rel @p0 .LBB2_2-.Ltmp0, $4  }
0xb1: {  	v4 =	vshll.u32 v4, $0x1;
	v14 =	vld.idx.msk [tilespmem:v5+s17+$0x0], $0xffff  }
0xb2: {  	v4 =	vor.u32 v3, v4;
	v15 =	vld.idx.msk [tilespmem:v18+s17+$0x0], $0xffff  }
0xb3: {  	v8 =	vor.u32 $0x400, v4;
	v9 =	vor.u32 $0x1, v4;
	v16 =	vld.idx.msk [tilespmem:v16+s17+$0x0], $0xffff  }
0xb4: {  	s29 =	smov.u32 s31;
	s22 =	sadd.s32 $0x10, s22;
	s23 =	sadd.s32 $0x10, s23;
	v7 =	vor.u32 $0x800, v4;
	v5 =	vor.u32 $0x801, v4;
	v17 =	vadd.f32 v12, v11  }
0xb5: {  	v18 =	vadd.f32 v10, v6  }
0xb6: {  	v11 =	vsub.f32 v12, v11;
	v55 =	vadd.f32 v13, v17  }
0xb7: {  	v57 =	vsub.f32 v10, v6;
	v56 =	vadd.f32 v14, v18  }
0xb8: {  	v58 =	vadd.f32 v15, v11;
	[tilespmem:s28+$0x0] =	vst v55  }
0xb9: {  	v6 =	vadd.f32 v16, v57;
	[tilespmem:s26+$0x0] =	vst v56  }
0xba: {  	v59 =	vor.u32 $0x401, v4;
	[tilespmem:s24+$0x0] =	vst v58  }
0xbb: {  	[tilespmem:s25+$0x0] =	vst v6  }
0xbc: {  	v6 =	vld.idx.msk [tilespmem:v4+s17+$0x0], $0xffff  }
0xbd: {  	v60 =	vor.u32 $0xC00, v4;
	v9 =	vld.idx.msk [tilespmem:v9+s17+$0x0], $0xffff  }
0xbe: {  	v8 =	vld.idx.msk [tilespmem:v8+s17+$0x0], $0xffff;
	v4 =	vor.u32 $0xC01, v4  }
0xbf: {  	v11 =	vld.idx.msk [tilespmem:v59+s17+$0x0], $0xffff  }
0xc0: {  	v7 =	vld.idx.msk [tilespmem:v7+s17+$0x0], $0xffff  }
0xc1: {  	v5 =	vld.idx.msk [tilespmem:v5+s17+$0x0], $0xffff  }
0xc2: {  	v10 =	vld.idx.msk [tilespmem:v60+s17+$0x0], $0xffff  }
0xc3: {  	v4 =	vld.idx.msk [tilespmem:v4+s17+$0x0], $0xffff;
	v61 =	vadd.f32 v8, v6  }
0xc4: {  	v62 =	vadd.f32 v11, v9  }
0xc5: {  	v6 =	vsub.f32 v8, v6;
	v7 =	vadd.f32 v7, v61  }
0xc6: {  	s21 =	sadd.s32 $0x10, s21;
	v63 =	vsub.f32 v11, v9;
	v5 =	vadd.f32 v5, v62  }
0xc7: {  	s20 =	sadd.s32 $0x10, s20;
	s2 =	simm.s32 $0x7080;
	s12 =	simm.s32 $0x7880;
	v6 =	vadd.f32 v10, v6;
	[tilespmem:s21+$0x0] =	vst v7  }
0xc8: {  	s4 =	simm.s32 $0x8080;
	s5 =	simm.s32 $0x8880;
	s6 =	simm.s32 $0x9080;
	[tilespmem:s20+$0x0] =	vst v5;
	v4 =	vadd.f32 v4, v63  }
0xc9: {  	s8 =	simm.s32 $0x9880;
	s9 =	simm.s32 $0xA080;
	s10 =	simm.s32 $0xA880;
	[tilespmem:s22+$0x0] =	vst v6  }
0xca: {  	s11 =	simm.s32 $0xB080;
	s13 =	simm.s32 $0xB880;
	s14 =	simm.s32 $0xC080;
	[tilespmem:s23+$0x0] =	vst v4  }
0xcb: {  	s15 =	simm.s32 $0xC880;
	s16 =	simm.s32 $0xD080;
	_ =	swait.ge [sflag:s18], $0x4000  }
0xcc: {  	s29 =	simm.s32 $0xE080;
	s30 =	simm.s32 $0xE880;
	[sflag:s18] =	ssyncset.done $0x0  }
0xcd: {  	s31 =	simm.s32 $0xF080;
	s28 =	simm.s32 $0xD880;
	[sflag:s18] =	ssyncadd.s32 $0xFFFFC000  }
0xce: {  	s26 =	simm.s32 $0x11080;
	s24 =	simm.s32 $0x10080;
	_ =	swait.ge [sflag:s18], $0x4000  }
0xcf: {  	s25 =	simm.s32 $0x10880;
	s20 =	simm.s32 $0x0;
	[sflag:s18] =	ssyncset.done $0x0  }
0xd0: {  	s22 =	simm.s32 $0x11880;
	s23 =	simm.s32 $0xF880;
	[sflag:s18] =	ssyncadd.s32 $0xFFFFC000  }
.LBB2_4:
0xd1: {  	s21 =	sshra.s32 s20, $0x2  }
0xd2: {  	v4 =	vld [tilespmem:s21+$0x40];
	_ =	sdelay $0x4  }
0xd3: {  	v5 =	vshll.u32 v4, $0x2  }
0xd4: {  	v4 =	vand.u32 $0x7, v4;
	v5 =	vand.u32 $0xFFFFFFE0, v5  }
0xd5: {  	v4 =	vor.u32 v4, v5  }
0xd6: {  	v5 =	vperm.xlane v4, v0;
	_ =	sdelay $0x1  }
0xd7: {  	v5 =	vadd.s32 v1, v5;
	_ =	sdelay $0x1  }
0xd8: {  	v4 =	vperm.xlane v4, v2;
	_ =	sdelay $0x1  }
0xd9: {  	s0 =	simm.s32 $0x2080;
	v4 =	vadd.s32 v1, v4  }
0xda: {  	[tilespmem:s0], [sflag:$0x1] =	stream.indirect_vreg.gather [hbm4b:s1+s3], $0x80, v5, vm0, $0xb8;
	[tilespmem:$0x12080] =	vst v63  }
0xdb: {  	s0 =	simm.s32 $0x2880  }
0xdc: {  	[tilespmem:s0], [sflag:$0x1] =	stream.indirect_vreg.gather [hbm4b:s7+s3], $0x80, v5, vm0, $0xb8;
	[tilespmem:$0x12080] =	vst v63  }
0xdd: {  	s0 =	simm.s32 $0x3080  }
0xde: {  	[tilespmem:s0], [sflag:$0x1] =	stream.indirect_vreg.gather [hbm4b:s1+s3], $0x80, v4, vm0, $0xb8;
	[tilespmem:$0x12080] =	vst v63  }
0xdf: {  	s0 =	simm.s32 $0x3880  }
0xe0: {  	[tilespmem:s0], [sflag:$0x1] =	stream.indirect_vreg.gather [hbm4b:s7+s3], $0x80, v4, vm0, $0xb8;
	[tilespmem:$0x12080] =	vst v63  }
0xe1: {  	v4 =	vld [tilespmem:s21+$0x50];
	_ =	sdelay $0x4  }
0xe2: {  	v5 =	vshll.u32 v4, $0x2  }
0xe3: {  	v4 =	vand.u32 $0x7, v4;
	v5 =	vand.u32 $0xFFFFFFE0, v5  }
0xe4: {  	v4 =	vor.u32 v4, v5  }
0xe5: {  	v5 =	vperm.xlane v4, v0;
	_ =	sdelay $0x1  }
0xe6: {  	v5 =	vadd.s32 v1, v5;
	_ =	sdelay $0x1  }
0xe7: {  	v4 =	vperm.xlane v4, v2;
	_ =	sdelay $0x1  }
0xe8: {  	s0 =	simm.s32 $0x4080;
	v4 =	vadd.s32 v1, v4  }
0xe9: {  	[tilespmem:s0], [sflag:$0x1] =	stream.indirect_vreg.gather [hbm4b:s1+s3], $0x80, v5, vm0, $0xb8;
	[tilespmem:$0x12080] =	vst v63  }
0xea: {  	s0 =	simm.s32 $0x4880  }
0xeb: {  	[tilespmem:s0], [sflag:$0x1] =	stream.indirect_vreg.gather [hbm4b:s7+s3], $0x80, v5, vm0, $0xb8;
	[tilespmem:$0x12080] =	vst v63  }
0xec: {  	s0 =	simm.s32 $0x5080  }
0xed: {  	[tilespmem:s0], [sflag:$0x1] =	stream.indirect_vreg.gather [hbm4b:s1+s3], $0x80, v4, vm0, $0xb8;
	[tilespmem:$0x12080] =	vst v63  }
0xee: {  	s0 =	simm.s32 $0x5880  }
0xef: {  	[tilespmem:s0], [sflag:$0x1] =	stream.indirect_vreg.gather [hbm4b:s7+s3], $0x80, v4, vm0, $0xb8;
	[tilespmem:$0x12080] =	vst v63  }
0xf0: {  	v4 =	vld [tilespmem:s21+$0x240];
	_ =	sdelay $0x4  }
0xf1: {  	v5 =	vshll.u32 v4, $0x2  }
0xf2: {  	v4 =	vand.u32 $0x7, v4;
	v5 =	vand.u32 $0xFFFFFFE0, v5  }
0xf3: {  	v4 =	vor.u32 v4, v5  }
0xf4: {  	v5 =	vperm.xlane v4, v0;
	_ =	sdelay $0x1  }
0xf5: {  	v5 =	vadd.s32 v1, v5;
	_ =	sdelay $0x1  }
0xf6: {  	v4 =	vperm.xlane v4, v2;
	_ =	sdelay $0x1  }
0xf7: {  	s0 =	simm.s32 $0x6080;
	v4 =	vadd.s32 v1, v4  }
0xf8: {  	[tilespmem:s0], [sflag:$0x1] =	stream.indirect_vreg.gather [hbm4b:s1+s3], $0x80, v5, vm0, $0xb8;
	[tilespmem:$0x12080] =	vst v63  }
0xf9: {  	s0 =	simm.s32 $0x6880  }
0xfa: {  	[tilespmem:s0], [sflag:$0x1] =	stream.indirect_vreg.gather [hbm4b:s7+s3], $0x80, v5, vm0, $0xb8;
	[tilespmem:$0x12080] =	vst v63  }
0xfb: {  	_ = 	snop  }
0xfc: {  	[tilespmem:s2], [sflag:$0x1] =	stream.indirect_vreg.gather [hbm4b:s1+s3], $0x80, v4, vm0, $0xb8;
	[tilespmem:$0x12080] =	vst v63  }
0xfd: {  	_ = 	snop  }
0xfe: {  	[tilespmem:s12], [sflag:$0x1] =	stream.indirect_vreg.gather [hbm4b:s7+s3], $0x80, v4, vm0, $0xb8;
	[tilespmem:$0x12080] =	vst v63  }
0xff: {  	v4 =	vld [tilespmem:s21+$0x250];
	_ =	sdelay $0x4  }
0x100: {  	v5 =	vshll.u32 v4, $0x2  }
0x101: {  	v4 =	vand.u32 $0x7, v4;
	v5 =	vand.u32 $0xFFFFFFE0, v5  }
0x102: {  	v4 =	vor.u32 v4, v5  }
0x103: {  	v5 =	vperm.xlane v4, v0;
	_ =	sdelay $0x1  }
0x104: {  	v5 =	vadd.s32 v1, v5;
	_ =	sdelay $0x1  }
0x105: {  	v4 =	vperm.xlane v4, v2;
	_ =	sdelay $0x1  }
0x106: {  	v4 =	vadd.s32 v1, v4  }
0x107: {  	[tilespmem:s4], [sflag:$0x1] =	stream.indirect_vreg.gather [hbm4b:s1+s3], $0x80, v5, vm0, $0xb8;
	[tilespmem:$0x12080] =	vst v63  }
0x108: {  	_ = 	snop  }
0x109: {  	[tilespmem:s5], [sflag:$0x1] =	stream.indirect_vreg.gather [hbm4b:s7+s3], $0x80, v5, vm0, $0xb8;
	[tilespmem:$0x12080] =	vst v63  }
0x10a: {  	_ = 	snop  }
0x10b: {  	[tilespmem:s6], [sflag:$0x1] =	stream.indirect_vreg.gather [hbm4b:s1+s3], $0x80, v4, vm0, $0xb8;
	[tilespmem:$0x12080] =	vst v63  }
0x10c: {  	_ = 	snop  }
0x10d: {  	[tilespmem:s8], [sflag:$0x1] =	stream.indirect_vreg.gather [hbm4b:s7+s3], $0x80, v4, vm0, $0xb8;
	[tilespmem:$0x12080] =	vst v63  }
0x10e: {  	_ =	swait.ge [sflag:s19], $0x4000  }
0x10f: {  	[sflag:s19] =	ssyncset.done $0x0  }
0x110: {  	[sflag:s19] =	ssyncadd.s32 $0xFFFFC000  }
0x111: {  	_ =	swait.ge [sflag:s19], $0x4000  }
0x112: {  	[sflag:s19] =	ssyncset.done $0x0  }
0x113: {  	[sflag:s19] =	ssyncadd.s32 $0xFFFFC000  }
0x114: {  	v4 =	vld [tilespmem:s21+$0x60];
	_ =	sdelay $0x4  }
0x115: {  	v5 =	vshll.u32 v4, $0x2  }
0x116: {  	v4 =	vand.u32 $0x7, v4;
	v5 =	vand.u32 $0xFFFFFFE0, v5  }
0x117: {  	v4 =	vor.u32 v4, v5  }
0x118: {  	v5 =	vperm.xlane v4, v0;
	_ =	sdelay $0x1  }
0x119: {  	v5 =	vadd.s32 v1, v5;
	_ =	sdelay $0x1  }
0x11a: {  	v4 =	vperm.xlane v4, v2;
	_ =	sdelay $0x1  }
0x11b: {  	v4 =	vadd.s32 v1, v4  }
0x11c: {  	[tilespmem:s9], [sflag:$0x2] =	stream.indirect_vreg.gather [hbm4b:s1+s3], $0x80, v5, vm0, $0xb8;
	[tilespmem:$0x12080] =	vst v63  }
0x11d: {  	_ = 	snop  }
0x11e: {  	[tilespmem:s10], [sflag:$0x2] =	stream.indirect_vreg.gather [hbm4b:s7+s3], $0x80, v5, vm0, $0xb8;
	[tilespmem:$0x12080] =	vst v63  }
0x11f: {  	_ = 	snop  }
0x120: {  	[tilespmem:s11], [sflag:$0x2] =	stream.indirect_vreg.gather [hbm4b:s1+s3], $0x80, v4, vm0, $0xb8;
	[tilespmem:$0x12080] =	vst v63  }
0x121: {  	_ = 	snop  }
0x122: {  	[tilespmem:s13], [sflag:$0x2] =	stream.indirect_vreg.gather [hbm4b:s7+s3], $0x80, v4, vm0, $0xb8;
	[tilespmem:$0x12080] =	vst v63  }
0x123: {  	v4 =	vld [tilespmem:s21+$0x70];
	_ =	sdelay $0x4  }
0x124: {  	v5 =	vshll.u32 v4, $0x2  }
0x125: {  	v4 =	vand.u32 $0x7, v4;
	v5 =	vand.u32 $0xFFFFFFE0, v5  }
0x126: {  	v4 =	vor.u32 v4, v5  }
0x127: {  	v5 =	vperm.xlane v4, v0;
	_ =	sdelay $0x1  }
0x128: {  	v5 =	vadd.s32 v1, v5;
	_ =	sdelay $0x1  }
0x129: {  	v4 =	vperm.xlane v4, v2;
	_ =	sdelay $0x1  }
0x12a: {  	v4 =	vadd.s32 v1, v4  }
0x12b: {  	[tilespmem:s14], [sflag:$0x2] =	stream.indirect_vreg.gather [hbm4b:s1+s3], $0x80, v5, vm0, $0xb8;
	[tilespmem:$0x12080] =	vst v63  }
0x12c: {  	_ = 	snop  }
0x12d: {  	[tilespmem:s15], [sflag:$0x2] =	stream.indirect_vreg.gather [hbm4b:s7+s3], $0x80, v5, vm0, $0xb8;
	[tilespmem:$0x12080] =	vst v63  }
0x12e: {  	_ = 	snop  }
0x12f: {  	[tilespmem:s16], [sflag:$0x2] =	stream.indirect_vreg.gather [hbm4b:s1+s3], $0x80, v4, vm0, $0xb8;
	[tilespmem:$0x12080] =	vst v63  }
0x130: {  	_ = 	snop  }
0x131: {  	[tilespmem:s28], [sflag:$0x2] =	stream.indirect_vreg.gather [hbm4b:s7+s3], $0x80, v4, vm0, $0xb8;
	[tilespmem:$0x12080] =	vst v63  }
0x132: {  	v4 =	vld [tilespmem:s21+$0x260];
	_ =	sdelay $0x4  }
0x133: {  	v5 =	vshll.u32 v4, $0x2  }
0x134: {  	v4 =	vand.u32 $0x7, v4;
	v5 =	vand.u32 $0xFFFFFFE0, v5  }
0x135: {  	v4 =	vor.u32 v4, v5  }
0x136: {  	v5 =	vperm.xlane v4, v0;
	_ =	sdelay $0x1  }
0x137: {  	v5 =	vadd.s32 v1, v5;
	_ =	sdelay $0x1  }
0x138: {  	v4 =	vperm.xlane v4, v2;
	_ =	sdelay $0x1  }
0x139: {  	v4 =	vadd.s32 v1, v4  }
0x13a: {  	[tilespmem:s29], [sflag:$0x2] =	stream.indirect_vreg.gather [hbm4b:s1+s3], $0x80, v5, vm0, $0xb8;
	[tilespmem:$0x12080] =	vst v63  }
0x13b: {  	_ = 	snop  }
0x13c: {  	[tilespmem:s30], [sflag:$0x2] =	stream.indirect_vreg.gather [hbm4b:s7+s3], $0x80, v5, vm0, $0xb8;
	[tilespmem:$0x12080] =	vst v63  }
0x13d: {  	_ = 	snop  }
0x13e: {  	[tilespmem:s31], [sflag:$0x2] =	stream.indirect_vreg.gather [hbm4b:s1+s3], $0x80, v4, vm0, $0xb8;
	[tilespmem:$0x12080] =	vst v63  }
0x13f: {  	_ = 	snop  }
0x140: {  	[tilespmem:s23], [sflag:$0x2] =	stream.indirect_vreg.gather [hbm4b:s7+s3], $0x80, v4, vm0, $0xb8;
	[tilespmem:$0x12080] =	vst v63  }
0x141: {  	v4 =	vld [tilespmem:s21+$0x270];
	_ =	sdelay $0x4  }
0x142: {  	v5 =	vshll.u32 v4, $0x2  }
0x143: {  	v4 =	vand.u32 $0x7, v4;
	v5 =	vand.u32 $0xFFFFFFE0, v5  }
0x144: {  	v4 =	vor.u32 v4, v5  }
0x145: {  	v5 =	vperm.xlane v4, v0;
	_ =	sdelay $0x1  }
0x146: {  	v5 =	vadd.s32 v1, v5;
	_ =	sdelay $0x1  }
0x147: {  	v4 =	vperm.xlane v4, v2;
	_ =	sdelay $0x1  }
0x148: {  	v4 =	vadd.s32 v1, v4  }
0x149: {  	[tilespmem:s24], [sflag:$0x2] =	stream.indirect_vreg.gather [hbm4b:s1+s3], $0x80, v5, vm0, $0xb8;
	[tilespmem:$0x12080] =	vst v63  }
0x14a: {  	_ = 	snop  }
0x14b: {  	[tilespmem:s25], [sflag:$0x2] =	stream.indirect_vreg.gather [hbm4b:s7+s3], $0x80, v5, vm0, $0xb8;
	[tilespmem:$0x12080] =	vst v63  }
0x14c: {  	_ = 	snop  }
0x14d: {  	[tilespmem:s26], [sflag:$0x2] =	stream.indirect_vreg.gather [hbm4b:s1+s3], $0x80, v4, vm0, $0xb8;
	[tilespmem:$0x12080] =	vst v63  }
0x14e: {  	_ = 	snop  }
0x14f: {  	[tilespmem:s22], [sflag:$0x2] =	stream.indirect_vreg.gather [hbm4b:s7+s3], $0x80, v4, vm0, $0xb8;
	[tilespmem:$0x12080] =	vst v63  }
0x150: {  	p0 =	sne.s32 s20, $0x600;
	_ =	swait.ge [sflag:s18], $0x4000  }
.Ltmp1:
0x151: {  	[sflag:s18] =	ssyncset.done $0x0;
	(pc) =	sbr.rel @p0 .LBB2_4-.Ltmp1, $4  }
0x152: {  	[sflag:s18] =	ssyncadd.s32 $0xFFFFC000  }
0x153: {  	_ =	swait.ge [sflag:s18], $0x4000  }
0x154: {  	[sflag:s18] =	ssyncset.done $0x0  }
0x155: {  	s20 =	sadd.s32 $0x100, s20;
	[sflag:s18] =	ssyncadd.s32 $0xFFFFC000  }
0x156: {  	_ =	swait.ge [sflag:s19], $0x4000  }
0x157: {  	[sflag:s19] =	ssyncset.done $0x0  }
0x158: {  	[sflag:s19] =	ssyncadd.s32 $0xFFFFC000  }
0x159: {  	_ =	swait.ge [sflag:s19], $0x4000  }
0x15a: {  	[sflag:s19] =	ssyncset.done $0x0  }
0x15b: {  	[sflag:s19] =	ssyncadd.s32 $0xFFFFC000  }
0x15c: {  	s20 =	simm.s32 $0x0;
	v5 =	vld [tilespmem:$0x1400]  }
0x15d: {  	v6 =	vld [tilespmem:s20+$0x1C80]  }
0x15e: {  	v7 =	vld [tilespmem:s20+$0x1E80];
	_ =	sdelay $0x2  }
0x15f: {  	v4 =	vbroadcast v5, $0x0;
	v5 =	vbroadcast v5, $0x1;
	_ =	sdelay $0x1  }
0x160: {  	v6 =	vadd.f32 v6, v4;
	v8 =	vadd.f32 v7, v5;
	_ =	sdelay $0x1  }
0x161: {  	v7 =	vsub.f32 v6, v8;
	_ =	sdelay $0x1  }
0x162: {  	v7 =	vand.u32 $0x7FFFFFFF, v7  }
0x163: {  	v7 =	vsub.f32 $0.0e+00, v7;
	_ =	sdelay $0x1  }
0x164: {  	v7 =	vmul.f32 $1.442695020e+00, v7;
	_ =	sdelay $0x1  }
0x165: {  	(erf) = vpow2.f32 v7;
	_ =	sdelay $0x8  }
0x166: {  	v7 =	vpop (erf)  }
0x167: {  	v9 =	vadd.f32 $2.000000000e+00, v7;
	_ =	sdelay $0x1  }
0x168: {  	(erf) = vrcp.f32 v9;
	_ =	sdelay $0x8  }
0x169: {  	v9 =	vpop (erf)  }
0x16a: {  	v7 =	vmul.f32 v9, v7;
	_ =	sdelay $0x1  }
0x16b: {  	v9 =	vmul.f32 v7, v7;
	_ =	sdelay $0x1  }
0x16c: {  	v10 =	vmul.f32 $1.111111120e-01, v9;
	_ =	sdelay $0x1  }
0x16d: {  	v10 =	vadd.f32 $1.428571490e-01, v10;
	_ =	sdelay $0x1  }
0x16e: {  	v10 =	vmul.f32 v10, v9;
	_ =	sdelay $0x1  }
0x16f: {  	v10 =	vadd.f32 $2.000000030e-01, v10;
	_ =	sdelay $0x1  }
0x170: {  	v10 =	vmul.f32 v10, v9;
	_ =	sdelay $0x1  }
0x171: {  	v10 =	vadd.f32 $3.333333430e-01, v10;
	_ =	sdelay $0x1  }
0x172: {  	v9 =	vmul.f32 v10, v9;
	_ =	sdelay $0x1  }
0x173: {  	v7 =	vadd.f32 v7, v7;
	v9 =	vadd.f32 $1.000000000e+00, v9;
	_ =	sdelay $0x1  }
0x174: {  	v7 =	vmul.f32 v9, v7  }
0x175: {  	v63 =	vmax.f32 v6, v8  }
0x176: {  	v9 =	vadd.f32 v7, v63;
	_ =	sdelay $0x1  }
0x177: {  	s21 =	simm.s32 $0x40;
	v7 =	vsub.f32 v6, v9;
	v6 =	vsub.f32 v8, v9  }
.LBB2_6:
0x178: {  	p0 =	sne.s32 s21, $0x7C0;
	s22 =	smov.u32 s21;
	s21 =	sadd.s32 $0x40, s21  }
0x179: {  	s22 =	sshra.s32 s22, $0x2;
	[tilespmem:s20+$0x1C80] =	vst v7  }
0x17a: {  	v7 =	vld [tilespmem:s22+$0x1C80];
	[tilespmem:s20+$0x1E80] =	vst v6;
	s20 =	smov.u32 s22  }
0x17b: {  	v6 =	vld [tilespmem:s20+$0x1E80];
	_ =	sdelay $0x3  }
0x17c: {  	v7 =	vadd.f32 v7, v4  }
0x17d: {  	v6 =	vadd.f32 v6, v5;
	_ =	sdelay $0x1  }
0x17e: {  	v8 =	vmax.f32 v7, v6;
	v9 =	vsub.f32 v7, v6;
	_ =	sdelay $0x1  }
0x17f: {  	v9 =	vand.u32 $0x7FFFFFFF, v9  }
0x180: {  	v9 =	vsub.f32 $0.0e+00, v9;
	_ =	sdelay $0x1  }
0x181: {  	v9 =	vmul.f32 $1.442695020e+00, v9;
	_ =	sdelay $0x1  }
0x182: {  	(erf) = vpow2.f32 v9;
	_ =	sdelay $0x8  }
0x183: {  	v9 =	vpop (erf)  }
0x184: {  	v10 =	vadd.f32 $2.000000000e+00, v9;
	_ =	sdelay $0x1  }
0x185: {  	(erf) = vrcp.f32 v10;
	_ =	sdelay $0x8  }
0x186: {  	v10 =	vpop (erf)  }
0x187: {  	v9 =	vmul.f32 v10, v9;
	_ =	sdelay $0x1  }
0x188: {  	v10 =	vmul.f32 v9, v9;
	_ =	sdelay $0x1  }
0x189: {  	v11 =	vmul.f32 $1.111111120e-01, v10;
	_ =	sdelay $0x1  }
0x18a: {  	v11 =	vadd.f32 $1.428571490e-01, v11;
	_ =	sdelay $0x1  }
0x18b: {  	v11 =	vmul.f32 v11, v10;
	_ =	sdelay $0x1  }
0x18c: {  	v11 =	vadd.f32 $2.000000030e-01, v11;
	_ =	sdelay $0x1  }
0x18d: {  	v11 =	vmul.f32 v11, v10;
	_ =	sdelay $0x1  }
0x18e: {  	v11 =	vadd.f32 $3.333333430e-01, v11;
	_ =	sdelay $0x1  }
0x18f: {  	v10 =	vmul.f32 v11, v10  }
0x190: {  	v9 =	vadd.f32 v9, v9  }
0x191: {  	v10 =	vadd.f32 $1.000000000e+00, v10;
	_ =	sdelay $0x1  }
.Ltmp2:
0x192: {  	v9 =	vmul.f32 v10, v9;
	(pc) =	sbr.rel @p0 .LBB2_6-.Ltmp2, $3  }
0x193: {  	_ = 	snop  }
0x194: {  	v8 =	vadd.f32 v9, v8;
	_ =	sdelay $0x1  }
0x195: {  	v7 =	vsub.f32 v7, v8;
	v6 =	vsub.f32 v6, v8  }
0x196: {  	_ = 	snop  }
0x197: {  	[tilespmem:s20+$0x1C80] =	vst v7  }
0x198: {  	s22 =	rddreg [dreg:$0x7];
	s0 =	simm.s32 $0x1C80;
	s21 =	simm.s32 $0x3;
	[tilespmem:s20+$0x1E80] =	vst v6  }
0x199: {  	[hbm4b:s22+s3] =	stream.linear.scatter [tilespmem:s0], [sflag:$0x3], $0x200, $0x38;
	[tilespmem:$0x12080] =	vst v63  }
0x19a: {  	_ =	swait.ge [sflag:s21], $0x200  }
0x19b: {  	s24 =	simm.s32 $0x1E80;
	s2 =	simm.s32 $0x7880;
	[sflag:s21] =	ssyncset.done $0x0  }
0x19c: {  	s4 =	simm.s32 $0x8080;
	s23 =	rddreg [dreg:$0x8];
	[sflag:s21] =	ssyncadd.s32 $0xFFFFFE00  }
0x19d: {  	[hbm4b:s23+s3] =	stream.linear.scatter [tilespmem:s24], [sflag:$0x3], $0x200, $0x38;
	[tilespmem:$0x12080] =	vst v63  }
0x19e: {  	s5 =	simm.s32 $0x8880;
	s6 =	simm.s32 $0x9080;
	_ =	swait.ge [sflag:s21], $0x200  }
0x19f: {  	s8 =	simm.s32 $0x9880;
	s9 =	simm.s32 $0xA080;
	s25 =	rddreg [dreg:$0xa]  }
0x1a0: {  	s10 =	simm.s32 $0xA880;
	s26 =	rddreg [dreg:$0x9];
	s0 =	sadd.s32 $0x1, s25  }
0x1a1: {  	s11 =	simm.s32 $0xB080;
	s12 =	simm.s32 $0xB880;
	p0 =	sne.s32 s0, s26  }
.Ltmp3:
0x1a2: {  	s13 =	simm.s32 $0xC080;
	s14 =	simm.s32 $0xC880;
	(pc) =	sbr.rel @p0 .LBB2_1-.Ltmp3, $4  }
0x1a3: {  	s15 =	simm.s32 $0xD080;
	s16 =	simm.s32 $0xD880;
	s28 =	simm.s32 $0xE080  }
0x1a4: {  	s29 =	simm.s32 $0xE880;
	s30 =	simm.s32 $0xF080;
	s31 =	simm.s32 $0xF880  }
0x1a5: {  	s23 =	simm.s32 $0x10080;
	s24 =	simm.s32 $0x10880;
	[sflag:s21] =	ssyncset.done $0x0  }
0x1a6: {  	[sflag:s21] =	ssyncadd.s32 $0xFFFFFE00;
	s25 =	simm.s32 $0x11080;
	s26 =	simm.s32 $0x11880  }
0x1a7: {  	_ =	sfence.sel $0x180000  }
0x1a8: {  	[bflag:$0x0] =	sbarrier.arrive $0xFFFF  }
0x1a9: {  	_ =	strace $0x90000047  }
0x1aa: {  	s0 =	stileid.u32;
	[bflag:$0x2] =	sbarrier.arrive $0xFFFF  }
0x1ab: {  	p0 =	sne.s32 s0, $0x0;
	s0 =	rddreg [dreg:$0x3]  }
0x1ac: {  	s0 =	sadd.s32 @!p0 $0x100000, s0  }
0x1ad: {  	[sflag:s0] =	ssyncadd.tile.s32 @!p0 $0x1;
	_ =	shalt  }
.Lfunc_end2:
_tile_overlayer_lowered:
.L_overlay_start_2:
0x1ae: {  	(tag) =	ssettag $0x2  }
0x1af: {  	s0 =	rddreg [dreg:$0x0];
	s2 =	stileid.u32  }
0x1b0: {  	s1 =	rddreg [dreg:$0x1];
	p0 =	sne.s32 s2, $0x0  }
0x1b1: {  	s3 =	rddreg [dreg:$0x2];
	[bflag:$0x3] =	sbarrier.arrive $0xFFFF;
	s2 =	simm.s32 @!p0 $0x1C03  }
0x1b2: {  	[timem:s3], [sflag:s2] =	dma.local @!p0 [hbm:s0], s1  }
0x1b3: {  	s0 =	simm.s32 @!p0 $0x3  }
0x1b4: {  	_ =	swait.ge @!p0 [sflag:s0], s1  }
0x1b5: {  	s1 =	ssub.s32 @!p0 $0x0, s1;
	[sflag:s0] =	ssyncset.done @!p0 $0x0  }
0x1b6: {  	[sflag:s0] =	ssyncadd.s32 @!p0 s1  }
0x1b7: {  	[bflag:$0x3] =	sbarrier.arrive $0xFFFF  }
0x1b8: {  	_ =	shalt  }

</sc_bundles>
